<compile_context>
chip_gen: v7x
topology: tpu7x:2x2x1
jax: 0.10.2.dev20260603
libtpu: 0.0.44.dev20260713+nightly
codegen_flags: <defaults>
</compile_context>

<pallas_src>
import functools

import jax
import jax.numpy as jnp
from jax import lax
from jax.experimental import pallas as pl
from jax.experimental.pallas import tpu as pltpu
from jax.experimental.pallas import tpu_sc as plsc

_N, _E, _I, _D = 10000, 320000, 128, 3
_NC, _NS = 2, 16
_NW = _NC * _NS
_EPW = _E // _NW
_C = 80
_NCH = _EPW // _C
_UROWS = 80
_NU = _N // _UROWS


def _prep_body(coef_ref, x_ref, w_ref, dst_ref, src_ref,
               table_ref, idx_ref, srcf_ref):
    table_ref[...] = x_ref[...] * coef_ref[0]

    @pl.when(pl.program_id(0) == 0)
    def _():
        w = w_ref[...]
        idx_ref[...] = jnp.maximum(w - 1, 0) * _N + dst_ref[...]
        rows = lax.broadcasted_iota(jnp.int32, w.shape, 0)
        cols = lax.broadcasted_iota(jnp.int32, w.shape, 1)
        trash = _N + lax.rem(rows * _I + cols, _UROWS)
        srcf_ref[...] = jnp.where(w > 0, src_ref[...], trash)


def _build_table_and_idx(x, coefs, w2d, dst2d, src2d):
    return pl.pallas_call(
        _prep_body,
        grid=(_D,),
        in_specs=[
            pl.BlockSpec((1, 1, _I), lambda d: (d, 0, 0)),
            pl.BlockSpec((_N, _I), lambda d: (0, 0)),
            pl.BlockSpec(w2d.shape, lambda d: (0, 0)),
            pl.BlockSpec(w2d.shape, lambda d: (0, 0)),
            pl.BlockSpec(w2d.shape, lambda d: (0, 0)),
        ],
        out_specs=[
            pl.BlockSpec((_N, _I), lambda d: (d, 0)),
            pl.BlockSpec(w2d.shape, lambda d: (0, 0)),
            pl.BlockSpec(w2d.shape, lambda d: (0, 0)),
        ],
        out_shape=[
            jax.ShapeDtypeStruct((_D * _N, _I), jnp.float32),
            jax.ShapeDtypeStruct(w2d.shape, jnp.int32),
            jax.ShapeDtypeStruct(w2d.shape, jnp.int32),
        ],
    )(coefs, x, w2d, dst2d, src2d)


def _sc_aggregate(table, idx, src):
    mesh = plsc.VectorSubcoreMesh(core_axis_name="c", subcore_axis_name="s")

    @functools.partial(
        pl.kernel,
        out_type=jax.ShapeDtypeStruct((_NC * _N, _I), jnp.float32),
        mesh=mesh,
        scratch_types=[
            pltpu.VMEM((_EPW,), jnp.int32),
            pltpu.VMEM((_C,), jnp.int32),
            pltpu.VMEM((_C,), jnp.int32),
            pltpu.VMEM((_C,), jnp.int32),
            pltpu.VMEM((_C, _I), jnp.float32),
            pltpu.VMEM((_C, _I), jnp.float32),
            pltpu.VMEM((_C, _I), jnp.float32),
            pltpu.VMEM((_UROWS // 2, _I), jnp.float32),
            pltpu.VMEM_SHARED((_N + _UROWS, _I), jnp.float32),
            pltpu.SemaphoreType.DMA,
            pltpu.SemaphoreType.DMA,
            pltpu.SemaphoreType.DMA,
            pltpu.SemaphoreType.DMA,
            pltpu.SemaphoreType.DMA,
            pltpu.SemaphoreType.DMA,
            pltpu.SemaphoreType.DMA,
        ],
    )
    def body(table_hbm, idx_hbm, src_hbm, out_hbm,
             idx_buf, src_0, src_1, src_2, bank_0, bank_1, bank_2, zbuf,
             accum, fsem_0, fsem_1, fsem_2, ssem_0, ssem_1, ssem_2, isem):
        srcs = (src_0, src_1, src_2)
        banks = (bank_0, bank_1, bank_2)
        fsems = (fsem_0, fsem_1, fsem_2)
        ssems = (ssem_0, ssem_1, ssem_2)
        c = lax.axis_index("c")
        s = lax.axis_index("s")
        wid = s * _NC + c
        base = pl.multiple_of(wid * _EPW, 8)
        pltpu.sync_copy(idx_hbm.at[pl.ds(base, _EPW)], idx_buf)

        n_units = (_NU - 1 - s) // _NS + 1

        def init_unit(k, carry):
            r = pl.multiple_of((s + k * _NS) * _UROWS, 8)
            lo = pltpu.make_async_copy(
                zbuf, accum.at[pl.ds(r, _UROWS // 2)], isem)
            hi = pltpu.make_async_copy(
                zbuf, accum.at[pl.ds(r + _UROWS // 2, _UROWS // 2)], isem)
            return lo, hi

        def fetch(ch, r):
            off = pl.multiple_of(ch * _C, 8)
            rows = pltpu.make_async_copy(
                table_hbm.at[idx_buf.at[pl.ds(off, _C)]], banks[r], fsems[r])
            sidx = pltpu.make_async_copy(
                src_hbm.at[pl.ds(base + off, _C)], srcs[r], fsems[r])
            return rows, sidx

        def scat(r):
            return pltpu.make_async_copy(banks[r], accum.at[srcs[r]], ssems[r])

        for cp in fetch(0, 0) + fetch(1, 1):
            cp.start()

        def zero_row(i, carry):
            for j in range(_I // 16):
                zbuf[i, pl.ds(j * 16, 16)] = jnp.zeros((16,), jnp.float32)
            return carry

        lax.fori_loop(0, _UROWS // 2, zero_row, 0)

        def start_init(k, carry):
            for cp in init_unit(k, carry):
                cp.start()
            return carry

        def wait_init(k, carry):
            for cp in init_unit(k, carry):
                cp.wait()
            return carry

        lax.fori_loop(0, n_units, start_init, 0)
        lax.fori_loop(0, n_units, wait_init, 0)
        plsc.subcore_barrier()

        def run_chunk(ch, r):
            t = (r + 2) % 3

            @pl.when((ch >= 1) & (ch < _NCH - 2))
            def _():
                scat(t).wait()

            @pl.when(ch < _NCH - 2)
            def _():
                for cp in fetch(ch + 2, t):
                    cp.start()

            for cp in fetch(ch, r):
                cp.wait()
            scat(r).start(add=True)

        def triple_body(g, carry):
            for r in range(3):
                run_chunk(g * 3 + r, r)
            return carry

        lax.fori_loop(0, _NCH // 3, triple_body, 0)
        for ch in range(_NCH - _NCH % 3, _NCH):
            for cp in fetch(ch, ch % 3):
                cp.wait()
            scat(ch % 3).start(add=True)
        for r in ((_NCH - 3) % 3, (_NCH - 2) % 3, (_NCH - 1) % 3):
            scat(r).wait()
        plsc.subcore_barrier()

        def write_unit(k, carry):
            r = pl.multiple_of((s + k * _NS) * _UROWS, 8)
            return pltpu.make_async_copy(accum.at[pl.ds(r, _UROWS)],
                                         out_hbm.at[pl.ds(c * _N + r, _UROWS)],
                                         isem)

        lax.fori_loop(0, n_units,
                      lambda k, c: (write_unit(k, c).start(), c)[1], 0)
        lax.fori_loop(0, n_units,
                      lambda k, c: (write_unit(k, c).wait(), c)[1], 0)

    return body(table, idx, src)


def _mlp_body(x_ref, parts_ref, w1_ref, b1_ref, g1_ref, be1_ref,
              w2_ref, b2_ref, g2_ref, be2_ref, out_ref):
    combined = x_ref[...] + parts_ref[0] + parts_ref[1]

    def layer(h, w_ref, b_ref, g_ref, be_ref):
        h = lax.dot_general(h, w_ref[...], (((1,), (1,)), ((), ())),
                            preferred_element_type=jnp.float32)
        h = h + b_ref[...]
        mu = jnp.mean(h, axis=0, keepdims=True)
        var = jnp.mean((h - mu) ** 2, axis=0, keepdims=True)
        h = g_ref[...] * (h - mu) / jnp.sqrt(var + 1e-5) + be_ref[...]
        return jnp.maximum(h, 0.0)

    h = layer(combined, w1_ref, b1_ref, g1_ref, be1_ref)
    out_ref[...] = layer(h, w2_ref, b2_ref, g2_ref, be2_ref)


def _mlp(x, parts, W1, b1, g1, be1, W2, b2, g2, be2):
    vecs = [v.reshape(1, _I) for v in (b1, g1, be1, b2, g2, be2)]
    return pl.pallas_call(
        _mlp_body,
        out_shape=jax.ShapeDtypeStruct((_N, _I), jnp.float32),
    )(x, parts, W1, vecs[0], vecs[1], vecs[2], W2, vecs[3], vecs[4], vecs[5])


def kernel(node_embeddings, edge_index, edge_weights,
           W1, b1, g1, be1, W2, b2, g2, be2, hop_coef):
    x = node_embeddings
    table, idx, srcf = _build_table_and_idx(
        x, jnp.broadcast_to(hop_coef[:, None, None], (_D, 1, _I)),
        edge_weights.reshape(_E // _I, _I),
        edge_index[1].reshape(_E // _I, _I),
        edge_index[0].reshape(_E // _I, _I))
    parts = _sc_aggregate(table, idx.reshape(_E), srcf.reshape(_E))
    return _mlp(x, parts.reshape(_NC, _N, _I),
                W1, b1, g1, be1, W2, b2, g2, be2)

# --- scband reference (transcript-rebuilt; emitter-appended) ---
"""Pipeline reference for scband-gin-hsp-layer-53609781789206 (READ-ONLY COPY).

The authoritative reference and input builder live on the scoring server;
editing this copy changes nothing except your own understanding.
"""

import jax, jax.numpy as jnp
import numpy as np

N, E, I, O, D = 10000, 320000, 128, 128, 3
EPS_GIN = 0.0


def _bn(h, g, b):
    # BatchNorm1d in training mode (torch default): batch statistics
    mu = jnp.mean(h, axis=0)
    var = jnp.var(h, axis=0)
    return g * (h - mu) / jnp.sqrt(var + 1e-5) + b


def setup_inputs(seed: int = 0) -> dict:
    key = jax.random.key(seed)
    ks = jax.random.split(key, 10)
    x = jax.random.normal(ks[0], (N, I), dtype=jnp.float32)
    edge_index = jax.random.randint(ks[1], (2, E), 0, N, dtype=jnp.int32)
    # edge_weights = shortest-path distance labels in {0..D}; hops 1..D are used
    edge_weights = jax.random.randint(ks[2], (E,), 0, D + 1, dtype=jnp.int32)
    s1 = 1.0 / np.sqrt(I)
    s2 = 1.0 / np.sqrt(O)
    W1 = jax.random.uniform(ks[3], (O, I), jnp.float32, -s1, s1)
    b1 = jax.random.uniform(ks[4], (O,), jnp.float32, -s1, s1)
    g1 = jnp.ones((O,), jnp.float32)
    be1 = jnp.zeros((O,), jnp.float32)
    W2 = jax.random.uniform(ks[5], (O, O), jnp.float32, -s2, s2)
    b2 = jax.random.uniform(ks[6], (O,), jnp.float32, -s2, s2)
    g2 = jnp.ones((O,), jnp.float32)
    be2 = jnp.zeros((O,), jnp.float32)
    hop_coef = jax.random.normal(ks[7], (D,), dtype=jnp.float32)
    return {"node_embeddings": x, "edge_index": edge_index, "edge_weights": edge_weights,
            "W1": W1, "b1": b1, "g1": g1, "be1": be1,
            "W2": W2, "b2": b2, "g2": g2, "be2": be2, "hop_coef": hop_coef}


def reference(node_embeddings, edge_index, edge_weights, W1, b1, g1, be1, W2, b2, g2, be2, hop_coef):
    # inside_aggr='sum': per-hop sparse adjacency matmul == masked scatter-add.
    # sparse.mm(A_d, X)[i] = sum over edges with edge_weights==d of X[edge_index[1]]
    # accumulated at row edge_index[0].
    src = edge_index[0]
    dst = edge_index[1]
    combined = (1.0 + EPS_GIN) * node_embeddings
    for d in range(1, D + 1):
        mask = (edge_weights == d).astype(node_embeddings.dtype)
        msg = node_embeddings[dst] * mask[:, None]
        agg_d = jnp.zeros((N, I), node_embeddings.dtype).at[src].add(msg)
        # outside_aggr='weight': learned per-hop coefficients
        combined = combined + hop_coef[d - 1] * agg_d
    # gin_mlp: Linear -> BN -> ReLU -> Linear -> BN -> ReLU
    h = jax.nn.relu(_bn(combined @ W1.T + b1, g1, be1))
    h = jax.nn.relu(_bn(h @ W2.T + b2, g2, be2))
    return h

if __name__ == "__main__":
    import jax
    _d = setup_inputs()
    print(jax.jit(kernel)(*tuple(_d.values())))

</pallas_src>

<mosaic_0001>
#map = affine_map<(d0, d1) -> (0, 0)>
#map1 = affine_map<(d0, d1) -> (0)>
module attributes {stable_mosaic.version = 14 : i64} {
  func.func @body(%arg0: i32, %arg1: i32, %arg2: memref<30000x128xf32, #tpu.memory_space<hbm>>, %arg3: memref<320000xi32, #tpu.memory_space<hbm>>, %arg4: memref<320000xi32, #tpu.memory_space<hbm>>, %arg5: memref<20000x128xf32, #tpu.memory_space<hbm>>, %arg6: memref<10000xi32, #tpu.memory_space<vmem>>, %arg7: memref<80xi32, #tpu.memory_space<vmem>>, %arg8: memref<80xi32, #tpu.memory_space<vmem>>, %arg9: memref<80xi32, #tpu.memory_space<vmem>>, %arg10: memref<80x128xf32, #tpu.memory_space<vmem>>, %arg11: memref<80x128xf32, #tpu.memory_space<vmem>>, %arg12: memref<80x128xf32, #tpu.memory_space<vmem>>, %arg13: memref<40x128xf32, #tpu.memory_space<vmem>>, %arg14: memref<10080x128xf32, #tpu.memory_space<vmem_shared>>, %arg15: memref<!tpu.dma_semaphore, #tpu.memory_space<semaphore_mem>>, %arg16: memref<!tpu.dma_semaphore, #tpu.memory_space<semaphore_mem>>, %arg17: memref<!tpu.dma_semaphore, #tpu.memory_space<semaphore_mem>>, %arg18: memref<!tpu.dma_semaphore, #tpu.memory_space<semaphore_mem>>, %arg19: memref<!tpu.dma_semaphore, #tpu.memory_space<semaphore_mem>>, %arg20: memref<!tpu.dma_semaphore, #tpu.memory_space<semaphore_mem>>, %arg21: memref<!tpu.dma_semaphore, #tpu.memory_space<semaphore_mem>>) attributes {dimension_semantics = [#tpu.dimension_semantics<core_parallel>, #tpu.dimension_semantics<subcore_parallel>], iteration_bounds = array<i64: 2, 16>, scalar_prefetch = 0 : i64, scratch_operands = 16 : i64, tpu.core_type = #tpu.core_type<sc_vector_subcore>, window_params = [{transform_indices = #map}, {transform_indices = #map1}, {transform_indices = #map1}, {transform_indices = #map}]} {
    %mul3A = arith.constant 2 : i32
    %mul3A_0 = arith.muli %arg1, %mul3A : i32
    %add3A = arith.addi %mul3A_0, %arg0 : i32
    %mul3A_1 = arith.constant 10000 : i32
    %mul3A_2 = arith.muli %add3A, %mul3A_1 : i32
    %multiple_of3A = tpu.assume_multiple %mul3A_2, 8 : i32
    "tpu.region"() ({
      %run_scoped3A = tpu.sem_alloc : memref<!tpu.dma_semaphore, #tpu.memory_space<semaphore_mem>>
      %dma_start3A_123 = tpu.memref_slice %arg3[%multiple_of3A] : memref<320000xi32, #tpu.memory_space<hbm>> -> memref<10000xi32, #tpu.memory_space<hbm>>
      %dma_start3A_124 = tpu.memref_slice %arg3[%multiple_of3A] : memref<320000xi32, #tpu.memory_space<hbm>> -> memref<10000xi32, #tpu.memory_space<hbm>>
      tpu.enqueue_dma source(%dma_start3A_124 : memref<10000xi32, #tpu.memory_space<hbm>>) target(%arg6 : memref<10000xi32, #tpu.memory_space<vmem>>) target_semaphore(%run_scoped3A : memref<!tpu.dma_semaphore, #tpu.memory_space<semaphore_mem>>)
      %dma_wait3A_125 = tpu.memref_slice %arg3[%multiple_of3A] : memref<320000xi32, #tpu.memory_space<hbm>> -> memref<10000xi32, #tpu.memory_space<hbm>>
      %dma_wait3A_126 = tpu.memref_slice %arg3[%multiple_of3A] : memref<320000xi32, #tpu.memory_space<hbm>> -> memref<10000xi32, #tpu.memory_space<hbm>>
      tpu.wait_dma2 semaphore(%run_scoped3A : memref<!tpu.dma_semaphore, #tpu.memory_space<semaphore_mem>>) src(%dma_wait3A_126 : memref<10000xi32, #tpu.memory_space<hbm>>) dst(%arg6 : memref<10000xi32, #tpu.memory_space<vmem>>)
      tpu.yield
    }) : () -> ()
    %sub3A = arith.constant 124 : i32
    %sub3A_3 = arith.subi %sub3A, %arg1 : i32
    %jit3A = arith.constant 16 : i32
    %div3A = arith.divsi %sub3A_3, %jit3A : i32
    %sign3A = arith.constant 0 : i32
    %sign3A_4 = arith.cmpi sgt, %sub3A_3, %sign3A : i32
    %sign3A_5 = arith.extui %sign3A_4 : i1 to i32
    %sign3A_6 = arith.constant 0 : i32
    %sign3A_7 = arith.cmpi slt, %sub3A_3, %sign3A_6 : i32
    %sign3A_8 = arith.extui %sign3A_7 : i1 to i32
    %sign3A_9 = arith.subi %sign3A_5, %sign3A_8 : i32
    %sign3A_10 = arith.constant 0 : i32
    %sign3A_11 = arith.cmpi sgt, %jit3A, %sign3A_10 : i32
    %sign3A_12 = arith.extui %sign3A_11 : i1 to i32
    %sign3A_13 = arith.constant 0 : i32
    %sign3A_14 = arith.cmpi slt, %jit3A, %sign3A_13 : i32
    %sign3A_15 = arith.extui %sign3A_14 : i1 to i32
    %sign3A_16 = arith.subi %sign3A_12, %sign3A_15 : i32
    %ne3A = arith.cmpi ne, %sign3A_9, %sign3A_16 : i32
    %rem3A = arith.remsi %sub3A_3, %jit3A : i32
    %ne3A_17 = arith.constant 0 : i32
    %ne3A_18 = arith.cmpi ne, %rem3A, %ne3A_17 : i32
    %and3A = arith.andi %ne3A, %ne3A_18 : i1
    %sub3A_19 = arith.constant 1 : i32
    %sub3A_20 = arith.subi %div3A, %sub3A_19 : i32
    %select_n3A = arith.select %and3A, %sub3A_20, %div3A : i32
    %add3A_21 = arith.constant 1 : i32
    %add3A_22 = arith.addi %select_n3A, %add3A_21 : i32
    %multiple_of3A_23 = arith.constant 0 : i32
    %multiple_of3A_24 = tpu.assume_multiple %multiple_of3A_23, 8 : i32
    %add3A_25 = arith.addi %multiple_of3A, %multiple_of3A_24 : i32
    %multiple_of3A_26 = arith.constant 80 : i32
    %multiple_of3A_27 = tpu.assume_multiple %multiple_of3A_26, 8 : i32
    %add3A_28 = arith.addi %multiple_of3A, %multiple_of3A_27 : i32
    %dma_start3A = tpu.memref_slice %arg6[%multiple_of3A_24] : memref<10000xi32, #tpu.memory_space<vmem>> -> memref<80xi32, #tpu.memory_space<vmem>>
    %dma_start3A_29 = arith.constant 0 : i32
    %dma_start3A_30 = arith.constant 0 : i32
    %dma_start3A_31 = tpu.memref_slice %arg2[%dma_start3A_29, %dma_start3A_30] : memref<30000x128xf32, #tpu.memory_space<hbm>> -> memref<30000x128xf32, #tpu.memory_space<hbm>>
    tpu.enqueue_indirect_dma source(%dma_start3A_31 : memref<30000x128xf32, #tpu.memory_space<hbm>>) target(%arg10 : memref<80x128xf32, #tpu.memory_space<vmem>>) offsets(%dma_start3A : memref<80xi32, #tpu.memory_space<vmem>>) semaphore(%arg15 : memref<!tpu.dma_semaphore, #tpu.memory_space<semaphore_mem>>)
    %dma_start3A_32 = tpu.memref_slice %arg4[%add3A_25] : memref<320000xi32, #tpu.memory_space<hbm>> -> memref<80xi32, #tpu.memory_space<hbm>>
    %dma_start3A_33 = tpu.memref_slice %arg4[%add3A_25] : memref<320000xi32, #tpu.memory_space<hbm>> -> memref<80xi32, #tpu.memory_space<hbm>>
    tpu.enqueue_dma source(%dma_start3A_33 : memref<80xi32, #tpu.memory_space<hbm>>) target(%arg7 : memref<80xi32, #tpu.memory_space<vmem>>) target_semaphore(%arg15 : memref<!tpu.dma_semaphore, #tpu.memory_space<semaphore_mem>>)
    %dma_start3A_34 = tpu.memref_slice %arg6[%multiple_of3A_27] : memref<10000xi32, #tpu.memory_space<vmem>> -> memref<80xi32, #tpu.memory_space<vmem>>
    %dma_start3A_35 = arith.constant 0 : i32
    %dma_start3A_36 = arith.constant 0 : i32
    %dma_start3A_37 = tpu.memref_slice %arg2[%dma_start3A_35, %dma_start3A_36] : memref<30000x128xf32, #tpu.memory_space<hbm>> -> memref<30000x128xf32, #tpu.memory_space<hbm>>
    tpu.enqueue_indirect_dma source(%dma_start3A_37 : memref<30000x128xf32, #tpu.memory_space<hbm>>) target(%arg11 : memref<80x128xf32, #tpu.memory_space<vmem>>) offsets(%dma_start3A_34 : memref<80xi32, #tpu.memory_space<vmem>>) semaphore(%arg16 : memref<!tpu.dma_semaphore, #tpu.memory_space<semaphore_mem>>)
    %dma_start3A_38 = tpu.memref_slice %arg4[%add3A_28] : memref<320000xi32, #tpu.memory_space<hbm>> -> memref<80xi32, #tpu.memory_space<hbm>>
    %dma_start3A_39 = tpu.memref_slice %arg4[%add3A_28] : memref<320000xi32, #tpu.memory_space<hbm>> -> memref<80xi32, #tpu.memory_space<hbm>>
    tpu.enqueue_dma source(%dma_start3A_39 : memref<80xi32, #tpu.memory_space<hbm>>) target(%arg8 : memref<80xi32, #tpu.memory_space<vmem>>) target_semaphore(%arg16 : memref<!tpu.dma_semaphore, #tpu.memory_space<semaphore_mem>>)
    %scan3A = arith.constant 0 : i32
    %scan3A_40 = arith.constant 0 : i32
    %scan3A_41 = arith.constant 40 : i32
    %scan3A_42 = arith.addi %scan3A_40, %scan3A_41 : i32
    %scan3A_43 = arith.constant 1 : i32
    scf.for %scan3A_123 = %scan3A_40 to %scan3A_42 step %scan3A_43  : i32 {
      %broadcast_in_dim3A = arith.constant 0.000000e+00 : f32
      %broadcast_in_dim3A_124 = vector.broadcast %broadcast_in_dim3A : f32 to vector<16xf32>
      %swap3A = arith.index_cast %scan3A_123 : i32 to index
      %swap3A_125 = arith.constant 0 : index
      %swap3A_126 = tpu.vector_load %arg13[%swap3A, %swap3A_125] {strides = array<i32>} : memref<40x128xf32, #tpu.memory_space<vmem>>, vector<1x16xf32>,
      %swap3A_127 = vector.shape_cast %swap3A_126 : vector<1x16xf32> to vector<16xf32>
      %swap3A_128 = vector.shape_cast %broadcast_in_dim3A_124 : vector<16xf32> to vector<1x16xf32>
      tpu.vector_store %arg13[%swap3A, %swap3A_125], %swap3A_128 {strides = array<i32>} : memref<40x128xf32, #tpu.memory_space<vmem>>, vector<1x16xf32>,
      %broadcast_in_dim3A_129 = arith.constant 0.000000e+00 : f32
      %broadcast_in_dim3A_130 = vector.broadcast %broadcast_in_dim3A_129 : f32 to vector<16xf32>
      %swap3A_131 = arith.index_cast %scan3A_123 : i32 to index
      %swap3A_132 = arith.constant 16 : index
      %swap3A_133 = tpu.vector_load %arg13[%swap3A_131, %swap3A_132] {strides = array<i32>} : memref<40x128xf32, #tpu.memory_space<vmem>>, vector<1x16xf32>,
      %swap3A_134 = vector.shape_cast %swap3A_133 : vector<1x16xf32> to vector<16xf32>
      %swap3A_135 = vector.shape_cast %broadcast_in_dim3A_130 : vector<16xf32> to vector<1x16xf32>
      tpu.vector_store %arg13[%swap3A_131, %swap3A_132], %swap3A_135 {strides = array<i32>} : memref<40x128xf32, #tpu.memory_space<vmem>>, vector<1x16xf32>,
      %broadcast_in_dim3A_136 = arith.constant 0.000000e+00 : f32
      %broadcast_in_dim3A_137 = vector.broadcast %broadcast_in_dim3A_136 : f32 to vector<16xf32>
      %swap3A_138 = arith.index_cast %scan3A_123 : i32 to index
      %swap3A_139 = arith.constant 32 : index
      %swap3A_140 = tpu.vector_load %arg13[%swap3A_138, %swap3A_139] {strides = array<i32>} : memref<40x128xf32, #tpu.memory_space<vmem>>, vector<1x16xf32>,
      %swap3A_141 = vector.shape_cast %swap3A_140 : vector<1x16xf32> to vector<16xf32>
      %swap3A_142 = vector.shape_cast %broadcast_in_dim3A_137 : vector<16xf32> to vector<1x16xf32>
      tpu.vector_store %arg13[%swap3A_138, %swap3A_139], %swap3A_142 {strides = array<i32>} : memref<40x128xf32, #tpu.memory_space<vmem>>, vector<1x16xf32>,
      %broadcast_in_dim3A_143 = arith.constant 0.000000e+00 : f32
      %broadcast_in_dim3A_144 = vector.broadcast %broadcast_in_dim3A_143 : f32 to vector<16xf32>
      %swap3A_145 = arith.index_cast %scan3A_123 : i32 to index
      %swap3A_146 = arith.constant 48 : index
      %swap3A_147 = tpu.vector_load %arg13[%swap3A_145, %swap3A_146] {strides = array<i32>} : memref<40x128xf32, #tpu.memory_space<vmem>>, vector<1x16xf32>,
      %swap3A_148 = vector.shape_cast %swap3A_147 : vector<1x16xf32> to vector<16xf32>
      %swap3A_149 = vector.shape_cast %broadcast_in_dim3A_144 : vector<16xf32> to vector<1x16xf32>
      tpu.vector_store %arg13[%swap3A_145, %swap3A_146], %swap3A_149 {strides = array<i32>} : memref<40x128xf32, #tpu.memory_space<vmem>>, vector<1x16xf32>,
      %broadcast_in_dim3A_150 = arith.constant 0.000000e+00 : f32
      %broadcast_in_dim3A_151 = vector.broadcast %broadcast_in_dim3A_150 : f32 to vector<16xf32>
      %swap3A_152 = arith.index_cast %scan3A_123 : i32 to index
      %swap3A_153 = arith.constant 64 : index
      %swap3A_154 = tpu.vector_load %arg13[%swap3A_152, %swap3A_153] {strides = array<i32>} : memref<40x128xf32, #tpu.memory_space<vmem>>, vector<1x16xf32>,
      %swap3A_155 = vector.shape_cast %swap3A_154 : vector<1x16xf32> to vector<16xf32>
      %swap3A_156 = vector.shape_cast %broadcast_in_dim3A_151 : vector<16xf32> to vector<1x16xf32>
      tpu.vector_store %arg13[%swap3A_152, %swap3A_153], %swap3A_156 {strides = array<i32>} : memref<40x128xf32, #tpu.memory_space<vmem>>, vector<1x16xf32>,
      %broadcast_in_dim3A_157 = arith.constant 0.000000e+00 : f32
      %broadcast_in_dim3A_158 = vector.broadcast %broadcast_in_dim3A_157 : f32 to vector<16xf32>
      %swap3A_159 = arith.index_cast %scan3A_123 : i32 to index
      %swap3A_160 = arith.constant 80 : index
      %swap3A_161 = tpu.vector_load %arg13[%swap3A_159, %swap3A_160] {strides = array<i32>} : memref<40x128xf32, #tpu.memory_space<vmem>>, vector<1x16xf32>,
      %swap3A_162 = vector.shape_cast %swap3A_161 : vector<1x16xf32> to vector<16xf32>
      %swap3A_163 = vector.shape_cast %broadcast_in_dim3A_158 : vector<16xf32> to vector<1x16xf32>
      tpu.vector_store %arg13[%swap3A_159, %swap3A_160], %swap3A_163 {strides = array<i32>} : memref<40x128xf32, #tpu.memory_space<vmem>>, vector<1x16xf32>,
      %broadcast_in_dim3A_164 = arith.constant 0.000000e+00 : f32
      %broadcast_in_dim3A_165 = vector.broadcast %broadcast_in_dim3A_164 : f32 to vector<16xf32>
      %swap3A_166 = arith.index_cast %scan3A_123 : i32 to index
      %swap3A_167 = arith.constant 96 : index
      %swap3A_168 = tpu.vector_load %arg13[%swap3A_166, %swap3A_167] {strides = array<i32>} : memref<40x128xf32, #tpu.memory_space<vmem>>, vector<1x16xf32>,
      %swap3A_169 = vector.shape_cast %swap3A_168 : vector<1x16xf32> to vector<16xf32>
      %swap3A_170 = vector.shape_cast %broadcast_in_dim3A_165 : vector<16xf32> to vector<1x16xf32>
      tpu.vector_store %arg13[%swap3A_166, %swap3A_167], %swap3A_170 {strides = array<i32>} : memref<40x128xf32, #tpu.memory_space<vmem>>, vector<1x16xf32>,
      %broadcast_in_dim3A_171 = arith.constant 0.000000e+00 : f32
      %broadcast_in_dim3A_172 = vector.broadcast %broadcast_in_dim3A_171 : f32 to vector<16xf32>
      %swap3A_173 = arith.index_cast %scan3A_123 : i32 to index
      %swap3A_174 = arith.constant 112 : index
      %swap3A_175 = tpu.vector_load %arg13[%swap3A_173, %swap3A_174] {strides = array<i32>} : memref<40x128xf32, #tpu.memory_space<vmem>>, vector<1x16xf32>,
      %swap3A_176 = vector.shape_cast %swap3A_175 : vector<1x16xf32> to vector<16xf32>
      %swap3A_177 = vector.shape_cast %broadcast_in_dim3A_172 : vector<16xf32> to vector<1x16xf32>
      tpu.vector_store %arg13[%swap3A_173, %swap3A_174], %swap3A_177 {strides = array<i32>} : memref<40x128xf32, #tpu.memory_space<vmem>>, vector<1x16xf32>,
    }
    %scan3A_44 = arith.constant 40 : i32
    %while3A = arith.constant 0 : i32
    %while3A_45 = arith.constant 0 : i32
    %while3A_46 = arith.subi %add3A_22, %while3A_45 : i32
    %while3A_47 = arith.addi %while3A_45, %while3A_46 : i32
    %while3A_48 = arith.constant 1 : i32
    %while3A_49 = arith.divsi %while3A_46, %while3A_48 : i32
    %while3A_50 = arith.muli %while3A_49, %while3A_48 : i32
    %while3A_51 = arith.addi %while3A_45, %while3A_50 : i32
    %while3A_52 = arith.constant 1 : i32
    scf.for %while3A_123 = %while3A_45 to %while3A_51 step %while3A_52  : i32 {
      %mul3A_124 = arith.constant 16 : i32
      %mul3A_125 = arith.muli %while3A_123, %mul3A_124 : i32
      %add3A_126 = arith.addi %arg1, %mul3A_125 : i32
      %mul3A_127 = arith.constant 80 : i32
      %mul3A_128 = arith.muli %add3A_126, %mul3A_127 : i32
      %multiple_of3A_129 = tpu.assume_multiple %mul3A_128, 8 : i32
      %add3A_130 = arith.constant 40 : i32
      %add3A_131 = arith.addi %multiple_of3A_129, %add3A_130 : i32
      %dma_start3A_132 = arith.constant 0 : i32
      %dma_start3A_133 = tpu.memref_slice %arg14[%multiple_of3A_129, %dma_start3A_132] : memref<10080x128xf32, #tpu.memory_space<vmem_shared>> -> memref<40x128xf32, #tpu.memory_space<vmem_shared>>
      %dma_start3A_134 = arith.constant 0 : i32
      %dma_start3A_135 = tpu.memref_slice %arg14[%multiple_of3A_129, %dma_start3A_134] : memref<10080x128xf32, #tpu.memory_space<vmem_shared>> -> memref<40x128xf32, #tpu.memory_space<vmem_shared>>
      tpu.enqueue_dma source(%arg13 : memref<40x128xf32, #tpu.memory_space<vmem>>) target(%dma_start3A_135 : memref<40x128xf32, #tpu.memory_space<vmem_shared>>) target_semaphore(%arg21 : memref<!tpu.dma_semaphore, #tpu.memory_space<semaphore_mem>>)
      %dma_start3A_136 = arith.constant 0 : i32
      %dma_start3A_137 = tpu.memref_slice %arg14[%add3A_131, %dma_start3A_136] : memref<10080x128xf32, #tpu.memory_space<vmem_shared>> -> memref<40x128xf32, #tpu.memory_space<vmem_shared>>
      %dma_start3A_138 = arith.constant 0 : i32
      %dma_start3A_139 = tpu.memref_slice %arg14[%add3A_131, %dma_start3A_138] : memref<10080x128xf32, #tpu.memory_space<vmem_shared>> -> memref<40x128xf32, #tpu.memory_space<vmem_shared>>
      tpu.enqueue_dma source(%arg13 : memref<40x128xf32, #tpu.memory_space<vmem>>) target(%dma_start3A_139 : memref<40x128xf32, #tpu.memory_space<vmem_shared>>) target_semaphore(%arg21 : memref<!tpu.dma_semaphore, #tpu.memory_space<semaphore_mem>>)
    }
    %while3A_53 = arith.constant 1 : i32
    scf.for %while3A_123 = %while3A_51 to %while3A_47 step %while3A_53  : i32 {
      %mul3A_124 = arith.constant 16 : i32
      %mul3A_125 = arith.muli %while3A_123, %mul3A_124 : i32
      %add3A_126 = arith.addi %arg1, %mul3A_125 : i32
      %mul3A_127 = arith.constant 80 : i32
      %mul3A_128 = arith.muli %add3A_126, %mul3A_127 : i32
      %multiple_of3A_129 = tpu.assume_multiple %mul3A_128, 8 : i32
      %add3A_130 = arith.constant 40 : i32
      %add3A_131 = arith.addi %multiple_of3A_129, %add3A_130 : i32
      %dma_start3A_132 = arith.constant 0 : i32
      %dma_start3A_133 = tpu.memref_slice %arg14[%multiple_of3A_129, %dma_start3A_132] : memref<10080x128xf32, #tpu.memory_space<vmem_shared>> -> memref<40x128xf32, #tpu.memory_space<vmem_shared>>
      %dma_start3A_134 = arith.constant 0 : i32
      %dma_start3A_135 = tpu.memref_slice %arg14[%multiple_of3A_129, %dma_start3A_134] : memref<10080x128xf32, #tpu.memory_space<vmem_shared>> -> memref<40x128xf32, #tpu.memory_space<vmem_shared>>
      tpu.enqueue_dma source(%arg13 : memref<40x128xf32, #tpu.memory_space<vmem>>) target(%dma_start3A_135 : memref<40x128xf32, #tpu.memory_space<vmem_shared>>) target_semaphore(%arg21 : memref<!tpu.dma_semaphore, #tpu.memory_space<semaphore_mem>>)
      %dma_start3A_136 = arith.constant 0 : i32
      %dma_start3A_137 = tpu.memref_slice %arg14[%add3A_131, %dma_start3A_136] : memref<10080x128xf32, #tpu.memory_space<vmem_shared>> -> memref<40x128xf32, #tpu.memory_space<vmem_shared>>
      %dma_start3A_138 = arith.constant 0 : i32
      %dma_start3A_139 = tpu.memref_slice %arg14[%add3A_131, %dma_start3A_138] : memref<10080x128xf32, #tpu.memory_space<vmem_shared>> -> memref<40x128xf32, #tpu.memory_space<vmem_shared>>
      tpu.enqueue_dma source(%arg13 : memref<40x128xf32, #tpu.memory_space<vmem>>) target(%dma_start3A_139 : memref<40x128xf32, #tpu.memory_space<vmem_shared>>) target_semaphore(%arg21 : memref<!tpu.dma_semaphore, #tpu.memory_space<semaphore_mem>>)
    }
    %while3A_54 = arith.constant 0 : i32
    %while3A_55 = arith.constant 0 : i32
    %while3A_56 = arith.subi %add3A_22, %while3A_55 : i32
    %while3A_57 = arith.addi %while3A_55, %while3A_56 : i32
    %while3A_58 = arith.constant 1 : i32
    %while3A_59 = arith.divsi %while3A_56, %while3A_58 : i32
    %while3A_60 = arith.muli %while3A_59, %while3A_58 : i32
    %while3A_61 = arith.addi %while3A_55, %while3A_60 : i32
    %while3A_62 = arith.constant 1 : i32
    scf.for %while3A_123 = %while3A_55 to %while3A_61 step %while3A_62  : i32 {
      %mul3A_124 = arith.constant 16 : i32
      %mul3A_125 = arith.muli %while3A_123, %mul3A_124 : i32
      %add3A_126 = arith.addi %arg1, %mul3A_125 : i32
      %mul3A_127 = arith.constant 80 : i32
      %mul3A_128 = arith.muli %add3A_126, %mul3A_127 : i32
      %multiple_of3A_129 = tpu.assume_multiple %mul3A_128, 8 : i32
      %add3A_130 = arith.constant 40 : i32
      %add3A_131 = arith.addi %multiple_of3A_129, %add3A_130 : i32
      %dma_wait3A_132 = arith.constant 0 : i32
      %dma_wait3A_133 = tpu.memref_slice %arg14[%multiple_of3A_129, %dma_wait3A_132] : memref<10080x128xf32, #tpu.memory_space<vmem_shared>> -> memref<40x128xf32, #tpu.memory_space<vmem_shared>>
      %dma_wait3A_134 = arith.constant 0 : i32
      %dma_wait3A_135 = tpu.memref_slice %arg14[%multiple_of3A_129, %dma_wait3A_134] : memref<10080x128xf32, #tpu.memory_space<vmem_shared>> -> memref<40x128xf32, #tpu.memory_space<vmem_shared>>
      tpu.wait_dma2 semaphore(%arg21 : memref<!tpu.dma_semaphore, #tpu.memory_space<semaphore_mem>>) src(%arg13 : memref<40x128xf32, #tpu.memory_space<vmem>>) dst(%dma_wait3A_135 : memref<40x128xf32, #tpu.memory_space<vmem_shared>>)
      %dma_wait3A_136 = arith.constant 0 : i32
      %dma_wait3A_137 = tpu.memref_slice %arg14[%add3A_131, %dma_wait3A_136] : memref<10080x128xf32, #tpu.memory_space<vmem_shared>> -> memref<40x128xf32, #tpu.memory_space<vmem_shared>>
      %dma_wait3A_138 = arith.constant 0 : i32
      %dma_wait3A_139 = tpu.memref_slice %arg14[%add3A_131, %dma_wait3A_138] : memref<10080x128xf32, #tpu.memory_space<vmem_shared>> -> memref<40x128xf32, #tpu.memory_space<vmem_shared>>
      tpu.wait_dma2 semaphore(%arg21 : memref<!tpu.dma_semaphore, #tpu.memory_space<semaphore_mem>>) src(%arg13 : memref<40x128xf32, #tpu.memory_space<vmem>>) dst(%dma_wait3A_139 : memref<40x128xf32, #tpu.memory_space<vmem_shared>>)
    }
    %while3A_63 = arith.constant 1 : i32
    scf.for %while3A_123 = %while3A_61 to %while3A_57 step %while3A_63  : i32 {
      %mul3A_124 = arith.constant 16 : i32
      %mul3A_125 = arith.muli %while3A_123, %mul3A_124 : i32
      %add3A_126 = arith.addi %arg1, %mul3A_125 : i32
      %mul3A_127 = arith.constant 80 : i32
      %mul3A_128 = arith.muli %add3A_126, %mul3A_127 : i32
      %multiple_of3A_129 = tpu.assume_multiple %mul3A_128, 8 : i32
      %add3A_130 = arith.constant 40 : i32
      %add3A_131 = arith.addi %multiple_of3A_129, %add3A_130 : i32
      %dma_wait3A_132 = arith.constant 0 : i32
      %dma_wait3A_133 = tpu.memref_slice %arg14[%multiple_of3A_129, %dma_wait3A_132] : memref<10080x128xf32, #tpu.memory_space<vmem_shared>> -> memref<40x128xf32, #tpu.memory_space<vmem_shared>>
      %dma_wait3A_134 = arith.constant 0 : i32
      %dma_wait3A_135 = tpu.memref_slice %arg14[%multiple_of3A_129, %dma_wait3A_134] : memref<10080x128xf32, #tpu.memory_space<vmem_shared>> -> memref<40x128xf32, #tpu.memory_space<vmem_shared>>
      tpu.wait_dma2 semaphore(%arg21 : memref<!tpu.dma_semaphore, #tpu.memory_space<semaphore_mem>>) src(%arg13 : memref<40x128xf32, #tpu.memory_space<vmem>>) dst(%dma_wait3A_135 : memref<40x128xf32, #tpu.memory_space<vmem_shared>>)
      %dma_wait3A_136 = arith.constant 0 : i32
      %dma_wait3A_137 = tpu.memref_slice %arg14[%add3A_131, %dma_wait3A_136] : memref<10080x128xf32, #tpu.memory_space<vmem_shared>> -> memref<40x128xf32, #tpu.memory_space<vmem_shared>>
      %dma_wait3A_138 = arith.constant 0 : i32
      %dma_wait3A_139 = tpu.memref_slice %arg14[%add3A_131, %dma_wait3A_138] : memref<10080x128xf32, #tpu.memory_space<vmem_shared>> -> memref<40x128xf32, #tpu.memory_space<vmem_shared>>
      tpu.wait_dma2 semaphore(%arg21 : memref<!tpu.dma_semaphore, #tpu.memory_space<semaphore_mem>>) src(%arg13 : memref<40x128xf32, #tpu.memory_space<vmem>>) dst(%dma_wait3A_139 : memref<40x128xf32, #tpu.memory_space<vmem_shared>>)
    }
    %barrier3A = arith.constant 0 : index
    tpu.barrier barrier_id(%barrier3A)
    %scan3A_64 = arith.constant 0 : i32
    %scan3A_65 = arith.constant 0 : i32
    %scan3A_66 = arith.constant 41 : i32
    %scan3A_67 = arith.addi %scan3A_65, %scan3A_66 : i32
    %scan3A_68 = arith.constant 1 : i32
    scf.for %scan3A_123 = %scan3A_65 to %scan3A_67 step %scan3A_68  : i32 {
      %mul3A_124 = arith.constant 3 : i32
      %mul3A_125 = arith.muli %scan3A_123, %mul3A_124 : i32
      %add3A_126 = arith.constant 0 : i32
      %add3A_127 = arith.addi %mul3A_125, %add3A_126 : i32
      %ge3A = arith.constant 1 : i32
      %ge3A_128 = arith.cmpi sge, %add3A_127, %ge3A : i32
      %lt3A = arith.constant 123 : i32
      %lt3A_129 = arith.cmpi slt, %add3A_127, %lt3A : i32
      %and3A_130 = arith.andi %ge3A_128, %lt3A_129 : i1
      %convert_element_type3A = arith.extui %and3A_130 : i1 to i32
      %cond3A = arith.constant 0 : i32
      %cond3A_131 = arith.cmpi ne, %convert_element_type3A, %cond3A : i32
      scf.if %cond3A_131 {
        %dma_wait3A_210 = arith.constant 0 : i32
        %dma_wait3A_211 = arith.constant 0 : i32
        %dma_wait3A_212 = tpu.memref_slice %arg14[%dma_wait3A_210, %dma_wait3A_211] : memref<10080x128xf32, #tpu.memory_space<vmem_shared>> -> memref<10080x128xf32, #tpu.memory_space<vmem_shared>>
        tpu.wait_indirect_dma semaphore(%arg20 : memref<!tpu.dma_semaphore, #tpu.memory_space<semaphore_mem>>) src(%arg12 : memref<80x128xf32, #tpu.memory_space<vmem>>) dst(%dma_wait3A_212 : memref<10080x128xf32, #tpu.memory_space<vmem_shared>>)
      } else {
      }
      %lt3A_132 = arith.constant 123 : i32
      %lt3A_133 = arith.cmpi slt, %add3A_127, %lt3A_132 : i32
      %convert_element_type3A_134 = arith.extui %lt3A_133 : i1 to i32
      %cond3A_135 = arith.constant 0 : i32
      %cond3A_136 = arith.cmpi ne, %convert_element_type3A_134, %cond3A_135 : i32
      scf.if %cond3A_136 {
        %add3A_210 = arith.constant 2 : i32
        %add3A_211 = arith.addi %add3A_127, %add3A_210 : i32
        %mul3A_212 = arith.constant 80 : i32
        %mul3A_213 = arith.muli %add3A_211, %mul3A_212 : i32
        %multiple_of3A_214 = tpu.assume_multiple %mul3A_213, 8 : i32
        %add3A_215 = arith.addi %multiple_of3A, %multiple_of3A_214 : i32
        %dma_start3A_216 = tpu.memref_slice %arg6[%multiple_of3A_214] : memref<10000xi32, #tpu.memory_space<vmem>> -> memref<80xi32, #tpu.memory_space<vmem>>
        %dma_start3A_217 = arith.constant 0 : i32
        %dma_start3A_218 = arith.constant 0 : i32
        %dma_start3A_219 = tpu.memref_slice %arg2[%dma_start3A_217, %dma_start3A_218] : memref<30000x128xf32, #tpu.memory_space<hbm>> -> memref<30000x128xf32, #tpu.memory_space<hbm>>
        tpu.enqueue_indirect_dma source(%dma_start3A_219 : memref<30000x128xf32, #tpu.memory_space<hbm>>) target(%arg12 : memref<80x128xf32, #tpu.memory_space<vmem>>) offsets(%dma_start3A_216 : memref<80xi32, #tpu.memory_space<vmem>>) semaphore(%arg17 : memref<!tpu.dma_semaphore, #tpu.memory_space<semaphore_mem>>)
        %dma_start3A_220 = tpu.memref_slice %arg4[%add3A_215] : memref<320000xi32, #tpu.memory_space<hbm>> -> memref<80xi32, #tpu.memory_space<hbm>>
        %dma_start3A_221 = tpu.memref_slice %arg4[%add3A_215] : memref<320000xi32, #tpu.memory_space<hbm>> -> memref<80xi32, #tpu.memory_space<hbm>>
        tpu.enqueue_dma source(%dma_start3A_221 : memref<80xi32, #tpu.memory_space<hbm>>) target(%arg9 : memref<80xi32, #tpu.memory_space<vmem>>) target_semaphore(%arg17 : memref<!tpu.dma_semaphore, #tpu.memory_space<semaphore_mem>>)
      } else {
      }
      %mul3A_137 = arith.constant 80 : i32
      %mul3A_138 = arith.muli %add3A_127, %mul3A_137 : i32
      %multiple_of3A_139 = tpu.assume_multiple %mul3A_138, 8 : i32
      %add3A_140 = arith.addi %multiple_of3A, %multiple_of3A_139 : i32
      %dma_wait3A_141 = tpu.memref_slice %arg6[%multiple_of3A_139] : memref<10000xi32, #tpu.memory_space<vmem>> -> memref<80xi32, #tpu.memory_space<vmem>>
      %dma_wait3A_142 = arith.constant 0 : i32
      %dma_wait3A_143 = arith.constant 0 : i32
      %dma_wait3A_144 = tpu.memref_slice %arg2[%dma_wait3A_142, %dma_wait3A_143] : memref<30000x128xf32, #tpu.memory_space<hbm>> -> memref<30000x128xf32, #tpu.memory_space<hbm>>
      tpu.wait_indirect_dma semaphore(%arg15 : memref<!tpu.dma_semaphore, #tpu.memory_space<semaphore_mem>>) src(%dma_wait3A_144 : memref<30000x128xf32, #tpu.memory_space<hbm>>) dst(%arg10 : memref<80x128xf32, #tpu.memory_space<vmem>>)
      %dma_wait3A_145 = tpu.memref_slice %arg4[%add3A_140] : memref<320000xi32, #tpu.memory_space<hbm>> -> memref<80xi32, #tpu.memory_space<hbm>>
      %dma_wait3A_146 = tpu.memref_slice %arg4[%add3A_140] : memref<320000xi32, #tpu.memory_space<hbm>> -> memref<80xi32, #tpu.memory_space<hbm>>
      tpu.wait_dma2 semaphore(%arg15 : memref<!tpu.dma_semaphore, #tpu.memory_space<semaphore_mem>>) src(%dma_wait3A_146 : memref<80xi32, #tpu.memory_space<hbm>>) dst(%arg7 : memref<80xi32, #tpu.memory_space<vmem>>)
      %dma_start3A_147 = arith.constant 0 : i32
      %dma_start3A_148 = arith.constant 0 : i32
      %dma_start3A_149 = tpu.memref_slice %arg14[%dma_start3A_147, %dma_start3A_148] : memref<10080x128xf32, #tpu.memory_space<vmem_shared>> -> memref<10080x128xf32, #tpu.memory_space<vmem_shared>>
      tpu.enqueue_indirect_dma source(%arg10 : memref<80x128xf32, #tpu.memory_space<vmem>>) target(%dma_start3A_149 : memref<10080x128xf32, #tpu.memory_space<vmem_shared>>) offsets(%arg7 : memref<80xi32, #tpu.memory_space<vmem>>) semaphore(%arg18 : memref<!tpu.dma_semaphore, #tpu.memory_space<semaphore_mem>>) {add = true}
      %mul3A_150 = arith.constant 3 : i32
      %mul3A_151 = arith.muli %scan3A_123, %mul3A_150 : i32
      %add3A_152 = arith.constant 1 : i32
      %add3A_153 = arith.addi %mul3A_151, %add3A_152 : i32
      %ge3A_154 = arith.constant 1 : i32
      %ge3A_155 = arith.cmpi sge, %add3A_153, %ge3A_154 : i32
      %lt3A_156 = arith.constant 123 : i32
      %lt3A_157 = arith.cmpi slt, %add3A_153, %lt3A_156 : i32
      %and3A_158 = arith.andi %ge3A_155, %lt3A_157 : i1
      %convert_element_type3A_159 = arith.extui %and3A_158 : i1 to i32
      %cond3A_160 = arith.constant 0 : i32
      %cond3A_161 = arith.cmpi ne, %convert_element_type3A_159, %cond3A_160 : i32
      scf.if %cond3A_161 {
        %dma_wait3A_210 = arith.constant 0 : i32
        %dma_wait3A_211 = arith.constant 0 : i32
        %dma_wait3A_212 = tpu.memref_slice %arg14[%dma_wait3A_210, %dma_wait3A_211] : memref<10080x128xf32, #tpu.memory_space<vmem_shared>> -> memref<10080x128xf32, #tpu.memory_space<vmem_shared>>
        tpu.wait_indirect_dma semaphore(%arg18 : memref<!tpu.dma_semaphore, #tpu.memory_space<semaphore_mem>>) src(%arg10 : memref<80x128xf32, #tpu.memory_space<vmem>>) dst(%dma_wait3A_212 : memref<10080x128xf32, #tpu.memory_space<vmem_shared>>)
      } else {
      }
      %lt3A_162 = arith.constant 123 : i32
      %lt3A_163 = arith.cmpi slt, %add3A_153, %lt3A_162 : i32
      %convert_element_type3A_164 = arith.extui %lt3A_163 : i1 to i32
      %cond3A_165 = arith.constant 0 : i32
      %cond3A_166 = arith.cmpi ne, %convert_element_type3A_164, %cond3A_165 : i32
      scf.if %cond3A_166 {
        %add3A_210 = arith.constant 2 : i32
        %add3A_211 = arith.addi %add3A_153, %add3A_210 : i32
        %mul3A_212 = arith.constant 80 : i32
        %mul3A_213 = arith.muli %add3A_211, %mul3A_212 : i32
        %multiple_of3A_214 = tpu.assume_multiple %mul3A_213, 8 : i32
        %add3A_215 = arith.addi %multiple_of3A, %multiple_of3A_214 : i32
        %dma_start3A_216 = tpu.memref_slice %arg6[%multiple_of3A_214] : memref<10000xi32, #tpu.memory_space<vmem>> -> memref<80xi32, #tpu.memory_space<vmem>>
        %dma_start3A_217 = arith.constant 0 : i32
        %dma_start3A_218 = arith.constant 0 : i32
        %dma_start3A_219 = tpu.memref_slice %arg2[%dma_start3A_217, %dma_start3A_218] : memref<30000x128xf32, #tpu.memory_space<hbm>> -> memref<30000x128xf32, #tpu.memory_space<hbm>>
        tpu.enqueue_indirect_dma source(%dma_start3A_219 : memref<30000x128xf32, #tpu.memory_space<hbm>>) target(%arg10 : memref<80x128xf32, #tpu.memory_space<vmem>>) offsets(%dma_start3A_216 : memref<80xi32, #tpu.memory_space<vmem>>) semaphore(%arg15 : memref<!tpu.dma_semaphore, #tpu.memory_space<semaphore_mem>>)
        %dma_start3A_220 = tpu.memref_slice %arg4[%add3A_215] : memref<320000xi32, #tpu.memory_space<hbm>> -> memref<80xi32, #tpu.memory_space<hbm>>
        %dma_start3A_221 = tpu.memref_slice %arg4[%add3A_215] : memref<320000xi32, #tpu.memory_space<hbm>> -> memref<80xi32, #tpu.memory_space<hbm>>
        tpu.enqueue_dma source(%dma_start3A_221 : memref<80xi32, #tpu.memory_space<hbm>>) target(%arg7 : memref<80xi32, #tpu.memory_space<vmem>>) target_semaphore(%arg15 : memref<!tpu.dma_semaphore, #tpu.memory_space<semaphore_mem>>)
      } else {
      }
      %mul3A_167 = arith.constant 80 : i32
      %mul3A_168 = arith.muli %add3A_153, %mul3A_167 : i32
      %multiple_of3A_169 = tpu.assume_multiple %mul3A_168, 8 : i32
      %add3A_170 = arith.addi %multiple_of3A, %multiple_of3A_169 : i32
      %dma_wait3A_171 = tpu.memref_slice %arg6[%multiple_of3A_169] : memref<10000xi32, #tpu.memory_space<vmem>> -> memref<80xi32, #tpu.memory_space<vmem>>
      %dma_wait3A_172 = arith.constant 0 : i32
      %dma_wait3A_173 = arith.constant 0 : i32
      %dma_wait3A_174 = tpu.memref_slice %arg2[%dma_wait3A_172, %dma_wait3A_173] : memref<30000x128xf32, #tpu.memory_space<hbm>> -> memref<30000x128xf32, #tpu.memory_space<hbm>>
      tpu.wait_indirect_dma semaphore(%arg16 : memref<!tpu.dma_semaphore, #tpu.memory_space<semaphore_mem>>) src(%dma_wait3A_174 : memref<30000x128xf32, #tpu.memory_space<hbm>>) dst(%arg11 : memref<80x128xf32, #tpu.memory_space<vmem>>)
      %dma_wait3A_175 = tpu.memref_slice %arg4[%add3A_170] : memref<320000xi32, #tpu.memory_space<hbm>> -> memref<80xi32, #tpu.memory_space<hbm>>
      %dma_wait3A_176 = tpu.memref_slice %arg4[%add3A_170] : memref<320000xi32, #tpu.memory_space<hbm>> -> memref<80xi32, #tpu.memory_space<hbm>>
      tpu.wait_dma2 semaphore(%arg16 : memref<!tpu.dma_semaphore, #tpu.memory_space<semaphore_mem>>) src(%dma_wait3A_176 : memref<80xi32, #tpu.memory_space<hbm>>) dst(%arg8 : memref<80xi32, #tpu.memory_space<vmem>>)
      %dma_start3A_177 = arith.constant 0 : i32
      %dma_start3A_178 = arith.constant 0 : i32
      %dma_start3A_179 = tpu.memref_slice %arg14[%dma_start3A_177, %dma_start3A_178] : memref<10080x128xf32, #tpu.memory_space<vmem_shared>> -> memref<10080x128xf32, #tpu.memory_space<vmem_shared>>
      tpu.enqueue_indirect_dma source(%arg11 : memref<80x128xf32, #tpu.memory_space<vmem>>) target(%dma_start3A_179 : memref<10080x128xf32, #tpu.memory_space<vmem_shared>>) offsets(%arg8 : memref<80xi32, #tpu.memory_space<vmem>>) semaphore(%arg19 : memref<!tpu.dma_semaphore, #tpu.memory_space<semaphore_mem>>) {add = true}
      %mul3A_180 = arith.constant 3 : i32
      %mul3A_181 = arith.muli %scan3A_123, %mul3A_180 : i32
      %add3A_182 = arith.constant 2 : i32
      %add3A_183 = arith.addi %mul3A_181, %add3A_182 : i32
      %ge3A_184 = arith.constant 1 : i32
      %ge3A_185 = arith.cmpi sge, %add3A_183, %ge3A_184 : i32
      %lt3A_186 = arith.constant 123 : i32
      %lt3A_187 = arith.cmpi slt, %add3A_183, %lt3A_186 : i32
      %and3A_188 = arith.andi %ge3A_185, %lt3A_187 : i1
      %convert_element_type3A_189 = arith.extui %and3A_188 : i1 to i32
      %cond3A_190 = arith.constant 0 : i32
      %cond3A_191 = arith.cmpi ne, %convert_element_type3A_189, %cond3A_190 : i32
      scf.if %cond3A_191 {
        %dma_wait3A_210 = arith.constant 0 : i32
        %dma_wait3A_211 = arith.constant 0 : i32
        %dma_wait3A_212 = tpu.memref_slice %arg14[%dma_wait3A_210, %dma_wait3A_211] : memref<10080x128xf32, #tpu.memory_space<vmem_shared>> -> memref<10080x128xf32, #tpu.memory_space<vmem_shared>>
        tpu.wait_indirect_dma semaphore(%arg19 : memref<!tpu.dma_semaphore, #tpu.memory_space<semaphore_mem>>) src(%arg11 : memref<80x128xf32, #tpu.memory_space<vmem>>) dst(%dma_wait3A_212 : memref<10080x128xf32, #tpu.memory_space<vmem_shared>>)
      } else {
      }
      %lt3A_192 = arith.constant 123 : i32
      %lt3A_193 = arith.cmpi slt, %add3A_183, %lt3A_192 : i32
      %convert_element_type3A_194 = arith.extui %lt3A_193 : i1 to i32
      %cond3A_195 = arith.constant 0 : i32
      %cond3A_196 = arith.cmpi ne, %convert_element_type3A_194, %cond3A_195 : i32
      scf.if %cond3A_196 {
        %add3A_210 = arith.constant 2 : i32
        %add3A_211 = arith.addi %add3A_183, %add3A_210 : i32
        %mul3A_212 = arith.constant 80 : i32
        %mul3A_213 = arith.muli %add3A_211, %mul3A_212 : i32
        %multiple_of3A_214 = tpu.assume_multiple %mul3A_213, 8 : i32
        %add3A_215 = arith.addi %multiple_of3A, %multiple_of3A_214 : i32
        %dma_start3A_216 = tpu.memref_slice %arg6[%multiple_of3A_214] : memref<10000xi32, #tpu.memory_space<vmem>> -> memref<80xi32, #tpu.memory_space<vmem>>
        %dma_start3A_217 = arith.constant 0 : i32
        %dma_start3A_218 = arith.constant 0 : i32
        %dma_start3A_219 = tpu.memref_slice %arg2[%dma_start3A_217, %dma_start3A_218] : memref<30000x128xf32, #tpu.memory_space<hbm>> -> memref<30000x128xf32, #tpu.memory_space<hbm>>
        tpu.enqueue_indirect_dma source(%dma_start3A_219 : memref<30000x128xf32, #tpu.memory_space<hbm>>) target(%arg11 : memref<80x128xf32, #tpu.memory_space<vmem>>) offsets(%dma_start3A_216 : memref<80xi32, #tpu.memory_space<vmem>>) semaphore(%arg16 : memref<!tpu.dma_semaphore, #tpu.memory_space<semaphore_mem>>)
        %dma_start3A_220 = tpu.memref_slice %arg4[%add3A_215] : memref<320000xi32, #tpu.memory_space<hbm>> -> memref<80xi32, #tpu.memory_space<hbm>>
        %dma_start3A_221 = tpu.memref_slice %arg4[%add3A_215] : memref<320000xi32, #tpu.memory_space<hbm>> -> memref<80xi32, #tpu.memory_space<hbm>>
        tpu.enqueue_dma source(%dma_start3A_221 : memref<80xi32, #tpu.memory_space<hbm>>) target(%arg8 : memref<80xi32, #tpu.memory_space<vmem>>) target_semaphore(%arg16 : memref<!tpu.dma_semaphore, #tpu.memory_space<semaphore_mem>>)
      } else {
      }
      %mul3A_197 = arith.constant 80 : i32
      %mul3A_198 = arith.muli %add3A_183, %mul3A_197 : i32
      %multiple_of3A_199 = tpu.assume_multiple %mul3A_198, 8 : i32
      %add3A_200 = arith.addi %multiple_of3A, %multiple_of3A_199 : i32
      %dma_wait3A_201 = tpu.memref_slice %arg6[%multiple_of3A_199] : memref<10000xi32, #tpu.memory_space<vmem>> -> memref<80xi32, #tpu.memory_space<vmem>>
      %dma_wait3A_202 = arith.constant 0 : i32
      %dma_wait3A_203 = arith.constant 0 : i32
      %dma_wait3A_204 = tpu.memref_slice %arg2[%dma_wait3A_202, %dma_wait3A_203] : memref<30000x128xf32, #tpu.memory_space<hbm>> -> memref<30000x128xf32, #tpu.memory_space<hbm>>
      tpu.wait_indirect_dma semaphore(%arg17 : memref<!tpu.dma_semaphore, #tpu.memory_space<semaphore_mem>>) src(%dma_wait3A_204 : memref<30000x128xf32, #tpu.memory_space<hbm>>) dst(%arg12 : memref<80x128xf32, #tpu.memory_space<vmem>>)
      %dma_wait3A_205 = tpu.memref_slice %arg4[%add3A_200] : memref<320000xi32, #tpu.memory_space<hbm>> -> memref<80xi32, #tpu.memory_space<hbm>>
      %dma_wait3A_206 = tpu.memref_slice %arg4[%add3A_200] : memref<320000xi32, #tpu.memory_space<hbm>> -> memref<80xi32, #tpu.memory_space<hbm>>
      tpu.wait_dma2 semaphore(%arg17 : memref<!tpu.dma_semaphore, #tpu.memory_space<semaphore_mem>>) src(%dma_wait3A_206 : memref<80xi32, #tpu.memory_space<hbm>>) dst(%arg9 : memref<80xi32, #tpu.memory_space<vmem>>)
      %dma_start3A_207 = arith.constant 0 : i32
      %dma_start3A_208 = arith.constant 0 : i32
      %dma_start3A_209 = tpu.memref_slice %arg14[%dma_start3A_207, %dma_start3A_208] : memref<10080x128xf32, #tpu.memory_space<vmem_shared>> -> memref<10080x128xf32, #tpu.memory_space<vmem_shared>>
      tpu.enqueue_indirect_dma source(%arg12 : memref<80x128xf32, #tpu.memory_space<vmem>>) target(%dma_start3A_209 : memref<10080x128xf32, #tpu.memory_space<vmem_shared>>) offsets(%arg9 : memref<80xi32, #tpu.memory_space<vmem>>) semaphore(%arg20 : memref<!tpu.dma_semaphore, #tpu.memory_space<semaphore_mem>>) {add = true}
    }
    %scan3A_69 = arith.constant 41 : i32
    %multiple_of3A_70 = arith.constant 9840 : i32
    %multiple_of3A_71 = tpu.assume_multiple %multiple_of3A_70, 8 : i32
    %add3A_72 = arith.addi %multiple_of3A, %multiple_of3A_71 : i32
    %dma_wait3A = tpu.memref_slice %arg6[%multiple_of3A_71] : memref<10000xi32, #tpu.memory_space<vmem>> -> memref<80xi32, #tpu.memory_space<vmem>>
    %dma_wait3A_73 = arith.constant 0 : i32
    %dma_wait3A_74 = arith.constant 0 : i32
    %dma_wait3A_75 = tpu.memref_slice %arg2[%dma_wait3A_73, %dma_wait3A_74] : memref<30000x128xf32, #tpu.memory_space<hbm>> -> memref<30000x128xf32, #tpu.memory_space<hbm>>
    tpu.wait_indirect_dma semaphore(%arg15 : memref<!tpu.dma_semaphore, #tpu.memory_space<semaphore_mem>>) src(%dma_wait3A_75 : memref<30000x128xf32, #tpu.memory_space<hbm>>) dst(%arg10 : memref<80x128xf32, #tpu.memory_space<vmem>>)
    %dma_wait3A_76 = tpu.memref_slice %arg4[%add3A_72] : memref<320000xi32, #tpu.memory_space<hbm>> -> memref<80xi32, #tpu.memory_space<hbm>>
    %dma_wait3A_77 = tpu.memref_slice %arg4[%add3A_72] : memref<320000xi32, #tpu.memory_space<hbm>> -> memref<80xi32, #tpu.memory_space<hbm>>
    tpu.wait_dma2 semaphore(%arg15 : memref<!tpu.dma_semaphore, #tpu.memory_space<semaphore_mem>>) src(%dma_wait3A_77 : memref<80xi32, #tpu.memory_space<hbm>>) dst(%arg7 : memref<80xi32, #tpu.memory_space<vmem>>)
    %dma_start3A_78 = arith.constant 0 : i32
    %dma_start3A_79 = arith.constant 0 : i32
    %dma_start3A_80 = tpu.memref_slice %arg14[%dma_start3A_78, %dma_start3A_79] : memref<10080x128xf32, #tpu.memory_space<vmem_shared>> -> memref<10080x128xf32, #tpu.memory_space<vmem_shared>>
    tpu.enqueue_indirect_dma source(%arg10 : memref<80x128xf32, #tpu.memory_space<vmem>>) target(%dma_start3A_80 : memref<10080x128xf32, #tpu.memory_space<vmem_shared>>) offsets(%arg7 : memref<80xi32, #tpu.memory_space<vmem>>) semaphore(%arg18 : memref<!tpu.dma_semaphore, #tpu.memory_space<semaphore_mem>>) {add = true}
    %multiple_of3A_81 = arith.constant 9920 : i32
    %multiple_of3A_82 = tpu.assume_multiple %multiple_of3A_81, 8 : i32
    %add3A_83 = arith.addi %multiple_of3A, %multiple_of3A_82 : i32
    %dma_wait3A_84 = tpu.memref_slice %arg6[%multiple_of3A_82] : memref<10000xi32, #tpu.memory_space<vmem>> -> memref<80xi32, #tpu.memory_space<vmem>>
    %dma_wait3A_85 = arith.constant 0 : i32
    %dma_wait3A_86 = arith.constant 0 : i32
    %dma_wait3A_87 = tpu.memref_slice %arg2[%dma_wait3A_85, %dma_wait3A_86] : memref<30000x128xf32, #tpu.memory_space<hbm>> -> memref<30000x128xf32, #tpu.memory_space<hbm>>
    tpu.wait_indirect_dma semaphore(%arg16 : memref<!tpu.dma_semaphore, #tpu.memory_space<semaphore_mem>>) src(%dma_wait3A_87 : memref<30000x128xf32, #tpu.memory_space<hbm>>) dst(%arg11 : memref<80x128xf32, #tpu.memory_space<vmem>>)
    %dma_wait3A_88 = tpu.memref_slice %arg4[%add3A_83] : memref<320000xi32, #tpu.memory_space<hbm>> -> memref<80xi32, #tpu.memory_space<hbm>>
    %dma_wait3A_89 = tpu.memref_slice %arg4[%add3A_83] : memref<320000xi32, #tpu.memory_space<hbm>> -> memref<80xi32, #tpu.memory_space<hbm>>
    tpu.wait_dma2 semaphore(%arg16 : memref<!tpu.dma_semaphore, #tpu.memory_space<semaphore_mem>>) src(%dma_wait3A_89 : memref<80xi32, #tpu.memory_space<hbm>>) dst(%arg8 : memref<80xi32, #tpu.memory_space<vmem>>)
    %dma_start3A_90 = arith.constant 0 : i32
    %dma_start3A_91 = arith.constant 0 : i32
    %dma_start3A_92 = tpu.memref_slice %arg14[%dma_start3A_90, %dma_start3A_91] : memref<10080x128xf32, #tpu.memory_space<vmem_shared>> -> memref<10080x128xf32, #tpu.memory_space<vmem_shared>>
    tpu.enqueue_indirect_dma source(%arg11 : memref<80x128xf32, #tpu.memory_space<vmem>>) target(%dma_start3A_92 : memref<10080x128xf32, #tpu.memory_space<vmem_shared>>) offsets(%arg8 : memref<80xi32, #tpu.memory_space<vmem>>) semaphore(%arg19 : memref<!tpu.dma_semaphore, #tpu.memory_space<semaphore_mem>>) {add = true}
    %dma_wait3A_93 = arith.constant 0 : i32
    %dma_wait3A_94 = arith.constant 0 : i32
    %dma_wait3A_95 = tpu.memref_slice %arg14[%dma_wait3A_93, %dma_wait3A_94] : memref<10080x128xf32, #tpu.memory_space<vmem_shared>> -> memref<10080x128xf32, #tpu.memory_space<vmem_shared>>
    tpu.wait_indirect_dma semaphore(%arg20 : memref<!tpu.dma_semaphore, #tpu.memory_space<semaphore_mem>>) src(%arg12 : memref<80x128xf32, #tpu.memory_space<vmem>>) dst(%dma_wait3A_95 : memref<10080x128xf32, #tpu.memory_space<vmem_shared>>)
    %dma_wait3A_96 = arith.constant 0 : i32
    %dma_wait3A_97 = arith.constant 0 : i32
    %dma_wait3A_98 = tpu.memref_slice %arg14[%dma_wait3A_96, %dma_wait3A_97] : memref<10080x128xf32, #tpu.memory_space<vmem_shared>> -> memref<10080x128xf32, #tpu.memory_space<vmem_shared>>
    tpu.wait_indirect_dma semaphore(%arg18 : memref<!tpu.dma_semaphore, #tpu.memory_space<semaphore_mem>>) src(%arg10 : memref<80x128xf32, #tpu.memory_space<vmem>>) dst(%dma_wait3A_98 : memref<10080x128xf32, #tpu.memory_space<vmem_shared>>)
    %dma_wait3A_99 = arith.constant 0 : i32
    %dma_wait3A_100 = arith.constant 0 : i32
    %dma_wait3A_101 = tpu.memref_slice %arg14[%dma_wait3A_99, %dma_wait3A_100] : memref<10080x128xf32, #tpu.memory_space<vmem_shared>> -> memref<10080x128xf32, #tpu.memory_space<vmem_shared>>
    tpu.wait_indirect_dma semaphore(%arg19 : memref<!tpu.dma_semaphore, #tpu.memory_space<semaphore_mem>>) src(%arg11 : memref<80x128xf32, #tpu.memory_space<vmem>>) dst(%dma_wait3A_101 : memref<10080x128xf32, #tpu.memory_space<vmem_shared>>)
    %barrier3A_102 = arith.constant 0 : index
    tpu.barrier barrier_id(%barrier3A_102)
    %while3A_103 = arith.constant 0 : i32
    %while3A_104 = arith.constant 0 : i32
    %while3A_105 = arith.subi %add3A_22, %while3A_104 : i32
    %while3A_106 = arith.addi %while3A_104, %while3A_105 : i32
    %while3A_107 = arith.constant 1 : i32
    %while3A_108 = arith.divsi %while3A_105, %while3A_107 : i32
    %while3A_109 = arith.muli %while3A_108, %while3A_107 : i32
    %while3A_110 = arith.addi %while3A_104, %while3A_109 : i32
    %while3A_111 = arith.constant 1 : i32
    scf.for %while3A_123 = %while3A_104 to %while3A_110 step %while3A_111  : i32 {
      %mul3A_124 = arith.constant 16 : i32
      %mul3A_125 = arith.muli %while3A_123, %mul3A_124 : i32
      %add3A_126 = arith.addi %arg1, %mul3A_125 : i32
      %mul3A_127 = arith.constant 80 : i32
      %mul3A_128 = arith.muli %add3A_126, %mul3A_127 : i32
      %multiple_of3A_129 = tpu.assume_multiple %mul3A_128, 8 : i32
      %mul3A_130 = arith.constant 10000 : i32
      %mul3A_131 = arith.muli %arg0, %mul3A_130 : i32
      %add3A_132 = arith.addi %mul3A_131, %multiple_of3A_129 : i32
      %dma_start3A_133 = arith.constant 0 : i32
      %dma_start3A_134 = tpu.memref_slice %arg5[%add3A_132, %dma_start3A_133] : memref<20000x128xf32, #tpu.memory_space<hbm>> -> memref<80x128xf32, #tpu.memory_space<hbm>>
      %dma_start3A_135 = arith.constant 0 : i32
      %dma_start3A_136 = tpu.memref_slice %arg14[%multiple_of3A_129, %dma_start3A_135] : memref<10080x128xf32, #tpu.memory_space<vmem_shared>> -> memref<80x128xf32, #tpu.memory_space<vmem_shared>>
      tpu.enqueue_dma source(%dma_start3A_136 : memref<80x128xf32, #tpu.memory_space<vmem_shared>>) target(%dma_start3A_134 : memref<80x128xf32, #tpu.memory_space<hbm>>) target_semaphore(%arg21 : memref<!tpu.dma_semaphore, #tpu.memory_space<semaphore_mem>>)
    }
    %while3A_112 = arith.constant 1 : i32
    scf.for %while3A_123 = %while3A_110 to %while3A_106 step %while3A_112  : i32 {
      %mul3A_124 = arith.constant 16 : i32
      %mul3A_125 = arith.muli %while3A_123, %mul3A_124 : i32
      %add3A_126 = arith.addi %arg1, %mul3A_125 : i32
      %mul3A_127 = arith.constant 80 : i32
      %mul3A_128 = arith.muli %add3A_126, %mul3A_127 : i32
      %multiple_of3A_129 = tpu.assume_multiple %mul3A_128, 8 : i32
      %mul3A_130 = arith.constant 10000 : i32
      %mul3A_131 = arith.muli %arg0, %mul3A_130 : i32
      %add3A_132 = arith.addi %mul3A_131, %multiple_of3A_129 : i32
      %dma_start3A_133 = arith.constant 0 : i32
      %dma_start3A_134 = tpu.memref_slice %arg5[%add3A_132, %dma_start3A_133] : memref<20000x128xf32, #tpu.memory_space<hbm>> -> memref<80x128xf32, #tpu.memory_space<hbm>>
      %dma_start3A_135 = arith.constant 0 : i32
      %dma_start3A_136 = tpu.memref_slice %arg14[%multiple_of3A_129, %dma_start3A_135] : memref<10080x128xf32, #tpu.memory_space<vmem_shared>> -> memref<80x128xf32, #tpu.memory_space<vmem_shared>>
      tpu.enqueue_dma source(%dma_start3A_136 : memref<80x128xf32, #tpu.memory_space<vmem_shared>>) target(%dma_start3A_134 : memref<80x128xf32, #tpu.memory_space<hbm>>) target_semaphore(%arg21 : memref<!tpu.dma_semaphore, #tpu.memory_space<semaphore_mem>>)
    }
    %while3A_113 = arith.constant 0 : i32
    %while3A_114 = arith.constant 0 : i32
    %while3A_115 = arith.subi %add3A_22, %while3A_114 : i32
    %while3A_116 = arith.addi %while3A_114, %while3A_115 : i32
    %while3A_117 = arith.constant 1 : i32
    %while3A_118 = arith.divsi %while3A_115, %while3A_117 : i32
    %while3A_119 = arith.muli %while3A_118, %while3A_117 : i32
    %while3A_120 = arith.addi %while3A_114, %while3A_119 : i32
    %while3A_121 = arith.constant 1 : i32
    scf.for %while3A_123 = %while3A_114 to %while3A_120 step %while3A_121  : i32 {
      %mul3A_124 = arith.constant 16 : i32
      %mul3A_125 = arith.muli %while3A_123, %mul3A_124 : i32
      %add3A_126 = arith.addi %arg1, %mul3A_125 : i32
      %mul3A_127 = arith.constant 80 : i32
      %mul3A_128 = arith.muli %add3A_126, %mul3A_127 : i32
      %multiple_of3A_129 = tpu.assume_multiple %mul3A_128, 8 : i32
      %mul3A_130 = arith.constant 10000 : i32
      %mul3A_131 = arith.muli %arg0, %mul3A_130 : i32
      %add3A_132 = arith.addi %mul3A_131, %multiple_of3A_129 : i32
      %dma_wait3A_133 = arith.constant 0 : i32
      %dma_wait3A_134 = tpu.memref_slice %arg5[%add3A_132, %dma_wait3A_133] : memref<20000x128xf32, #tpu.memory_space<hbm>> -> memref<80x128xf32, #tpu.memory_space<hbm>>
      %dma_wait3A_135 = arith.constant 0 : i32
      %dma_wait3A_136 = tpu.memref_slice %arg14[%multiple_of3A_129, %dma_wait3A_135] : memref<10080x128xf32, #tpu.memory_space<vmem_shared>> -> memref<80x128xf32, #tpu.memory_space<vmem_shared>>
      tpu.wait_dma2 semaphore(%arg21 : memref<!tpu.dma_semaphore, #tpu.memory_space<semaphore_mem>>) src(%dma_wait3A_136 : memref<80x128xf32, #tpu.memory_space<vmem_shared>>) dst(%dma_wait3A_134 : memref<80x128xf32, #tpu.memory_space<hbm>>)
    }
    %while3A_122 = arith.constant 1 : i32
    scf.for %while3A_123 = %while3A_120 to %while3A_116 step %while3A_122  : i32 {
      %mul3A_124 = arith.constant 16 : i32
      %mul3A_125 = arith.muli %while3A_123, %mul3A_124 : i32
      %add3A_126 = arith.addi %arg1, %mul3A_125 : i32
      %mul3A_127 = arith.constant 80 : i32
      %mul3A_128 = arith.muli %add3A_126, %mul3A_127 : i32
      %multiple_of3A_129 = tpu.assume_multiple %mul3A_128, 8 : i32
      %mul3A_130 = arith.constant 10000 : i32
      %mul3A_131 = arith.muli %arg0, %mul3A_130 : i32
      %add3A_132 = arith.addi %mul3A_131, %multiple_of3A_129 : i32
      %dma_wait3A_133 = arith.constant 0 : i32
      %dma_wait3A_134 = tpu.memref_slice %arg5[%add3A_132, %dma_wait3A_133] : memref<20000x128xf32, #tpu.memory_space<hbm>> -> memref<80x128xf32, #tpu.memory_space<hbm>>
      %dma_wait3A_135 = arith.constant 0 : i32
      %dma_wait3A_136 = tpu.memref_slice %arg14[%multiple_of3A_129, %dma_wait3A_135] : memref<10080x128xf32, #tpu.memory_space<vmem_shared>> -> memref<80x128xf32, #tpu.memory_space<vmem_shared>>
      tpu.wait_dma2 semaphore(%arg21 : memref<!tpu.dma_semaphore, #tpu.memory_space<semaphore_mem>>) src(%dma_wait3A_136 : memref<80x128xf32, #tpu.memory_space<vmem_shared>>) dst(%dma_wait3A_134 : memref<80x128xf32, #tpu.memory_space<hbm>>)
    }
    return
  }
}

module attributes {stable_mosaic.version = 14 : i64} {
  func.func @_prep_body(%arg0: i32, %arg1: memref<1x1x128xf32, #tpu.memory_space<vmem>>, %arg2: memref<10000x128xf32, #tpu.memory_space<vmem>>, %arg3: memref<2500x128xi32, #tpu.memory_space<vmem>>, %arg4: memref<2500x128xi32, #tpu.memory_space<vmem>>, %arg5: memref<2500x128xi32, #tpu.memory_space<vmem>>, %arg6: memref<10000x128xf32, #tpu.memory_space<vmem>>, %arg7: memref<2500x128xi32, #tpu.memory_space<vmem>>, %arg8: memref<2500x128xi32, #tpu.memory_space<vmem>>) attributes {dimension_semantics = [#tpu.dimension_semantics<arbitrary>], iteration_bounds = array<i64: 3>, scalar_prefetch = 0 : i64, scratch_operands = 0 : i64, tpu.core_type = #tpu.core_type<tc>, window_params = [{transform_indices = @transform_0, window_bounds = array<i64: 1, 1, 128>}, {pipeline_mode = #tpu.pipeline_mode<synchronous>, transform_indices = @transform_1, window_bounds = array<i64: 10000, 128>}, {pipeline_mode = #tpu.pipeline_mode<synchronous>, transform_indices = @transform_2, window_bounds = array<i64: 2500, 128>}, {pipeline_mode = #tpu.pipeline_mode<synchronous>, transform_indices = @transform_3, window_bounds = array<i64: 2500, 128>}, {pipeline_mode = #tpu.pipeline_mode<synchronous>, transform_indices = @transform_4, window_bounds = array<i64: 2500, 128>}, {transform_indices = @transform_5, window_bounds = array<i64: 10000, 128>}, {pipeline_mode = #tpu.pipeline_mode<synchronous>, transform_indices = @transform_6, window_bounds = array<i64: 2500, 128>}, {pipeline_mode = #tpu.pipeline_mode<synchronous>, transform_indices = @transform_7, window_bounds = array<i64: 2500, 128>}]} {
    %get3A = arith.constant 0 : index
    %get3A_0 = arith.constant 0 : index
    %get3A_1 = vector.load %arg2[%get3A, %get3A_0] : memref<10000x128xf32, #tpu.memory_space<vmem>>, vector<10000x128xf32>
    %get3A_2 = arith.constant 0 : index
    %get3A_3 = arith.constant 0 : index
    %get3A_4 = arith.constant 0 : index
    %get3A_5 = vector.load %arg1[%get3A_2, %get3A_3, %get3A_4] : memref<1x1x128xf32, #tpu.memory_space<vmem>>, vector<1x1x128xf32>
    %get3A_6 = vector.shape_cast %get3A_5 : vector<1x1x128xf32> to vector<1x128xf32>
    %mul3A = vector.broadcast %get3A_6 : vector<1x128xf32> to vector<10000x128xf32>
    %mul3A_7 = arith.mulf %get3A_1, %mul3A : vector<10000x128xf32>
    %swap3A = arith.constant 0 : index
    %swap3A_8 = arith.constant 0 : index
    %swap3A_9 = vector.load %arg6[%swap3A, %swap3A_8] : memref<10000x128xf32, #tpu.memory_space<vmem>>, vector<10000x128xf32>
    tpu.vector_store %arg6[%swap3A, %swap3A_8], %mul3A_7 {strides = array<i32>} : memref<10000x128xf32, #tpu.memory_space<vmem>>, vector<10000x128xf32>,
    %eq3A = arith.constant 0 : i32
    %eq3A_10 = arith.cmpi eq, %arg0, %eq3A : i32
    %convert_element_type3A = arith.extui %eq3A_10 : i1 to i32
    %cond3A = arith.constant 0 : i32
    %cond3A_11 = arith.cmpi ne, %convert_element_type3A, %cond3A : i32
    scf.if %cond3A_11 {
      %get3A_12 = arith.constant 0 : index
      %get3A_13 = arith.constant 0 : index
      %get3A_14 = vector.load %arg3[%get3A_12, %get3A_13] : memref<2500x128xi32, #tpu.memory_space<vmem>>, vector<2500x128xi32>
      %sub3A = arith.constant 1 : i32
      %sub3A_15 = vector.broadcast %sub3A : i32 to vector<2500x128xi32>
      %sub3A_16 = arith.subi %get3A_14, %sub3A_15 : vector<2500x128xi32>
      %max3A = arith.constant 0 : i32
      %max3A_17 = vector.broadcast %max3A : i32 to vector<2500x128xi32>
      %max3A_18 = arith.maxsi %sub3A_16, %max3A_17 : vector<2500x128xi32>
      %mul3A_19 = arith.constant 10000 : i32
      %mul3A_20 = vector.broadcast %mul3A_19 : i32 to vector<2500x128xi32>
      %mul3A_21 = arith.muli %max3A_18, %mul3A_20 : vector<2500x128xi32>
      %get3A_22 = arith.constant 0 : index
      %get3A_23 = arith.constant 0 : index
      %get3A_24 = vector.load %arg4[%get3A_22, %get3A_23] : memref<2500x128xi32, #tpu.memory_space<vmem>>, vector<2500x128xi32>
      %add3A = arith.addi %mul3A_21, %get3A_24 : vector<2500x128xi32>
      %swap3A_25 = arith.constant 0 : index
      %swap3A_26 = arith.constant 0 : index
      %swap3A_27 = vector.load %arg7[%swap3A_25, %swap3A_26] : memref<2500x128xi32, #tpu.memory_space<vmem>>, vector<2500x128xi32>
      tpu.vector_store %arg7[%swap3A_25, %swap3A_26], %add3A {strides = array<i32>} : memref<2500x128xi32, #tpu.memory_space<vmem>>, vector<2500x128xi32>,
      %iota3A = tpu.iota {dimensions = array<i32: 0>} : vector<2500x128xi32>
      %iota3A_28 = tpu.iota {dimensions = array<i32: 1>} : vector<2500x128xi32>
      %mul3A_29 = arith.constant 128 : i32
      %mul3A_30 = vector.broadcast %mul3A_29 : i32 to vector<2500x128xi32>
      %mul3A_31 = arith.muli %iota3A, %mul3A_30 : vector<2500x128xi32>
      %add3A_32 = arith.addi %mul3A_31, %iota3A_28 : vector<2500x128xi32>
      %rem3A = arith.constant 80 : i32
      %rem3A_33 = vector.broadcast %rem3A : i32 to vector<2500x128xi32>
      %rem3A_34 = arith.remsi %add3A_32, %rem3A_33 : vector<2500x128xi32>
      %add3A_35 = arith.constant 10000 : i32
      %add3A_36 = vector.broadcast %add3A_35 : i32 to vector<2500x128xi32>
      %add3A_37 = arith.addi %add3A_36, %rem3A_34 : vector<2500x128xi32>
      %gt3A = arith.constant 0 : i32
      %gt3A_38 = vector.broadcast %gt3A : i32 to vector<2500x128xi32>
      %gt3A_39 = arith.cmpi sgt, %get3A_14, %gt3A_38 : vector<2500x128xi32>
      %get3A_40 = arith.constant 0 : index
      %get3A_41 = arith.constant 0 : index
      %get3A_42 = vector.load %arg5[%get3A_40, %get3A_41] : memref<2500x128xi32, #tpu.memory_space<vmem>>, vector<2500x128xi32>
      %select_n3A = arith.select %gt3A_39, %get3A_42, %add3A_37 : vector<2500x128xi1>, vector<2500x128xi32>
      %swap3A_43 = arith.constant 0 : index
      %swap3A_44 = arith.constant 0 : index
      %swap3A_45 = vector.load %arg8[%swap3A_43, %swap3A_44] : memref<2500x128xi32, #tpu.memory_space<vmem>>, vector<2500x128xi32>
      tpu.vector_store %arg8[%swap3A_43, %swap3A_44], %select_n3A {strides = array<i32>} : memref<2500x128xi32, #tpu.memory_space<vmem>>, vector<2500x128xi32>,
    } else {
    }
    return
  }
  func.func @transform_0(%arg0: i32) -> (i32, i32, i32) {
    %c0_i32 = arith.constant 0 : i32
    %c0_i32_0 = arith.constant 0 : i32
    %c0_i32_1 = arith.constant 0 : i32
    return %arg0, %c0_i32, %c0_i32_0 : i32, i32, i32
  }
  func.func @transform_1(%arg0: i32) -> (i32, i32) {
    %c0_i32 = arith.constant 0 : i32
    %c0_i32_0 = arith.constant 0 : i32
    %c0_i32_1 = arith.constant 0 : i32
    return %c0_i32, %c0_i32_0 : i32, i32
  }
  func.func @transform_2(%arg0: i32) -> (i32, i32) {
    %c0_i32 = arith.constant 0 : i32
    %c0_i32_0 = arith.constant 0 : i32
    %c0_i32_1 = arith.constant 0 : i32
    return %c0_i32, %c0_i32_0 : i32, i32
  }
  func.func @transform_3(%arg0: i32) -> (i32, i32) {
    %c0_i32 = arith.constant 0 : i32
    %c0_i32_0 = arith.constant 0 : i32
    %c0_i32_1 = arith.constant 0 : i32
    return %c0_i32, %c0_i32_0 : i32, i32
  }
  func.func @transform_4(%arg0: i32) -> (i32, i32) {
    %c0_i32 = arith.constant 0 : i32
    %c0_i32_0 = arith.constant 0 : i32
    %c0_i32_1 = arith.constant 0 : i32
    return %c0_i32, %c0_i32_0 : i32, i32
  }
  func.func @transform_5(%arg0: i32) -> (i32, i32) {
    %c0_i32 = arith.constant 0 : i32
    %c0_i32_0 = arith.constant 0 : i32
    return %arg0, %c0_i32 : i32, i32
  }
  func.func @transform_6(%arg0: i32) -> (i32, i32) {
    %c0_i32 = arith.constant 0 : i32
    %c0_i32_0 = arith.constant 0 : i32
    %c0_i32_1 = arith.constant 0 : i32
    return %c0_i32, %c0_i32_0 : i32, i32
  }
  func.func @transform_7(%arg0: i32) -> (i32, i32) {
    %c0_i32 = arith.constant 0 : i32
    %c0_i32_0 = arith.constant 0 : i32
    %c0_i32_1 = arith.constant 0 : i32
    return %c0_i32, %c0_i32_0 : i32, i32
  }
}

module attributes {stable_mosaic.version = 14 : i64} {
  func.func @_mlp_body(%arg0: memref<10000x128xf32, #tpu.memory_space<vmem>>, %arg1: memref<2x10000x128xf32, #tpu.memory_space<vmem>>, %arg2: memref<128x128xf32, #tpu.memory_space<vmem>>, %arg3: memref<1x128xf32, #tpu.memory_space<vmem>>, %arg4: memref<1x128xf32, #tpu.memory_space<vmem>>, %arg5: memref<1x128xf32, #tpu.memory_space<vmem>>, %arg6: memref<128x128xf32, #tpu.memory_space<vmem>>, %arg7: memref<1x128xf32, #tpu.memory_space<vmem>>, %arg8: memref<1x128xf32, #tpu.memory_space<vmem>>, %arg9: memref<1x128xf32, #tpu.memory_space<vmem>>, %arg10: memref<10000x128xf32, #tpu.memory_space<vmem>>) attributes {dimension_semantics = [], scalar_prefetch = 0 : i64, scratch_operands = 0 : i64, tpu.core_type = #tpu.core_type<tc>} {
    %get3A = arith.constant 0 : index
    %get3A_0 = arith.constant 0 : index
    %get3A_1 = vector.load %arg0[%get3A, %get3A_0] : memref<10000x128xf32, #tpu.memory_space<vmem>>, vector<10000x128xf32>
    %get3A_2 = arith.constant 0 : index
    %get3A_3 = arith.constant 0 : index
    %get3A_4 = arith.constant 0 : index
    %get3A_5 = vector.load %arg1[%get3A_2, %get3A_3, %get3A_4] : memref<2x10000x128xf32, #tpu.memory_space<vmem>>, vector<1x10000x128xf32>
    %get3A_6 = vector.shape_cast %get3A_5 : vector<1x10000x128xf32> to vector<10000x128xf32>
    %add3A = arith.addf %get3A_1, %get3A_6 : vector<10000x128xf32>
    %get3A_7 = arith.constant 1 : index
    %get3A_8 = arith.constant 0 : index
    %get3A_9 = arith.constant 0 : index
    %get3A_10 = vector.load %arg1[%get3A_7, %get3A_8, %get3A_9] : memref<2x10000x128xf32, #tpu.memory_space<vmem>>, vector<1x10000x128xf32>
    %get3A_11 = vector.shape_cast %get3A_10 : vector<1x10000x128xf32> to vector<10000x128xf32>
    %add3A_12 = arith.addf %add3A, %get3A_11 : vector<10000x128xf32>
    %get3A_13 = arith.constant 0 : index
    %get3A_14 = arith.constant 0 : index
    %get3A_15 = vector.load %arg2[%get3A_13, %get3A_14] : memref<128x128xf32, #tpu.memory_space<vmem>>, vector<128x128xf32>
    %dot_general3A = arith.constant dense<0.000000e+00> : vector<10000x128xf32>
    %dot_general3A_16 = tpu.matmul %add3A_12, %get3A_15, %dot_general3A {dimension_numbers = #tpu.dot_dimension_numbers<[1], [1], [0], [0], [0, 0, 1, 0], [], []>, transpose_lhs_hint = false} : vector<10000x128xf32>, vector<128x128xf32>, vector<10000x128xf32> -> vector<10000x128xf32>
    %get3A_17 = arith.constant 0 : index
    %get3A_18 = arith.constant 0 : index
    %get3A_19 = vector.load %arg3[%get3A_17, %get3A_18] : memref<1x128xf32, #tpu.memory_space<vmem>>, vector<1x128xf32>
    %add3A_20 = vector.broadcast %get3A_19 : vector<1x128xf32> to vector<10000x128xf32>
    %add3A_21 = arith.addf %dot_general3A_16, %add3A_20 : vector<10000x128xf32>
    %reduce_sum3A = arith.constant dense<0.000000e+00> : vector<128xf32>
    %reduce_sum3A_22 = vector.multi_reduction <add>, %add3A_21, %reduce_sum3A [0] : vector<10000x128xf32> to vector<128xf32>
    %broadcast_in_dim3A = vector.shape_cast %reduce_sum3A_22 : vector<128xf32> to vector<1x128xf32>
    %div3A = arith.constant 1.000000e+04 : f32
    %div3A_23 = vector.broadcast %div3A : f32 to vector<1x128xf32>
    %div3A_24 = arith.divf %broadcast_in_dim3A, %div3A_23 : vector<1x128xf32>
    %sub3A = vector.broadcast %div3A_24 : vector<1x128xf32> to vector<10000x128xf32>
    %sub3A_25 = arith.subf %add3A_21, %sub3A : vector<10000x128xf32>
    %integer_pow3A = arith.mulf %sub3A_25, %sub3A_25 : vector<10000x128xf32>
    %reduce_sum3A_26 = arith.constant dense<0.000000e+00> : vector<128xf32>
    %reduce_sum3A_27 = vector.multi_reduction <add>, %integer_pow3A, %reduce_sum3A_26 [0] : vector<10000x128xf32> to vector<128xf32>
    %broadcast_in_dim3A_28 = vector.shape_cast %reduce_sum3A_27 : vector<128xf32> to vector<1x128xf32>
    %div3A_29 = arith.constant 1.000000e+04 : f32
    %div3A_30 = vector.broadcast %div3A_29 : f32 to vector<1x128xf32>
    %div3A_31 = arith.divf %broadcast_in_dim3A_28, %div3A_30 : vector<1x128xf32>
    %get3A_32 = arith.constant 0 : index
    %get3A_33 = arith.constant 0 : index
    %get3A_34 = vector.load %arg4[%get3A_32, %get3A_33] : memref<1x128xf32, #tpu.memory_space<vmem>>, vector<1x128xf32>
    %sub3A_35 = vector.broadcast %div3A_24 : vector<1x128xf32> to vector<10000x128xf32>
    %sub3A_36 = arith.subf %add3A_21, %sub3A_35 : vector<10000x128xf32>
    %mul3A = vector.broadcast %get3A_34 : vector<1x128xf32> to vector<10000x128xf32>
    %mul3A_37 = arith.mulf %mul3A, %sub3A_36 : vector<10000x128xf32>
    %add3A_38 = arith.constant 9.99999974E-6 : f32
    %add3A_39 = vector.broadcast %add3A_38 : f32 to vector<1x128xf32>
    %add3A_40 = arith.addf %div3A_31, %add3A_39 : vector<1x128xf32>
    %sqrt3A = math.sqrt %add3A_40 : vector<1x128xf32>
    %div3A_41 = vector.broadcast %sqrt3A : vector<1x128xf32> to vector<10000x128xf32>
    %div3A_42 = arith.divf %mul3A_37, %div3A_41 : vector<10000x128xf32>
    %get3A_43 = arith.constant 0 : index
    %get3A_44 = arith.constant 0 : index
    %get3A_45 = vector.load %arg5[%get3A_43, %get3A_44] : memref<1x128xf32, #tpu.memory_space<vmem>>, vector<1x128xf32>
    %add3A_46 = vector.broadcast %get3A_45 : vector<1x128xf32> to vector<10000x128xf32>
    %add3A_47 = arith.addf %div3A_42, %add3A_46 : vector<10000x128xf32>
    %max3A = arith.constant 0.000000e+00 : f32
    %max3A_48 = vector.broadcast %max3A : f32 to vector<10000x128xf32>
    %max3A_49 = arith.maximumf %add3A_47, %max3A_48 : vector<10000x128xf32>
    %get3A_50 = arith.constant 0 : index
    %get3A_51 = arith.constant 0 : index
    %get3A_52 = vector.load %arg6[%get3A_50, %get3A_51] : memref<128x128xf32, #tpu.memory_space<vmem>>, vector<128x128xf32>
    %dot_general3A_53 = arith.constant dense<0.000000e+00> : vector<10000x128xf32>
    %dot_general3A_54 = tpu.matmul %max3A_49, %get3A_52, %dot_general3A_53 {dimension_numbers = #tpu.dot_dimension_numbers<[1], [1], [0], [0], [0, 0, 1, 0], [], []>, transpose_lhs_hint = false} : vector<10000x128xf32>, vector<128x128xf32>, vector<10000x128xf32> -> vector<10000x128xf32>
    %get3A_55 = arith.constant 0 : index
    %get3A_56 = arith.constant 0 : index
    %get3A_57 = vector.load %arg7[%get3A_55, %get3A_56] : memref<1x128xf32, #tpu.memory_space<vmem>>, vector<1x128xf32>
    %add3A_58 = vector.broadcast %get3A_57 : vector<1x128xf32> to vector<10000x128xf32>
    %add3A_59 = arith.addf %dot_general3A_54, %add3A_58 : vector<10000x128xf32>
    %reduce_sum3A_60 = arith.constant dense<0.000000e+00> : vector<128xf32>
    %reduce_sum3A_61 = vector.multi_reduction <add>, %add3A_59, %reduce_sum3A_60 [0] : vector<10000x128xf32> to vector<128xf32>
    %broadcast_in_dim3A_62 = vector.shape_cast %reduce_sum3A_61 : vector<128xf32> to vector<1x128xf32>
    %div3A_63 = arith.constant 1.000000e+04 : f32
    %div3A_64 = vector.broadcast %div3A_63 : f32 to vector<1x128xf32>
    %div3A_65 = arith.divf %broadcast_in_dim3A_62, %div3A_64 : vector<1x128xf32>
    %sub3A_66 = vector.broadcast %div3A_65 : vector<1x128xf32> to vector<10000x128xf32>
    %sub3A_67 = arith.subf %add3A_59, %sub3A_66 : vector<10000x128xf32>
    %integer_pow3A_68 = arith.mulf %sub3A_67, %sub3A_67 : vector<10000x128xf32>
    %reduce_sum3A_69 = arith.constant dense<0.000000e+00> : vector<128xf32>
    %reduce_sum3A_70 = vector.multi_reduction <add>, %integer_pow3A_68, %reduce_sum3A_69 [0] : vector<10000x128xf32> to vector<128xf32>
    %broadcast_in_dim3A_71 = vector.shape_cast %reduce_sum3A_70 : vector<128xf32> to vector<1x128xf32>
    %div3A_72 = arith.constant 1.000000e+04 : f32
    %div3A_73 = vector.broadcast %div3A_72 : f32 to vector<1x128xf32>
    %div3A_74 = arith.divf %broadcast_in_dim3A_71, %div3A_73 : vector<1x128xf32>
    %get3A_75 = arith.constant 0 : index
    %get3A_76 = arith.constant 0 : index
    %get3A_77 = vector.load %arg8[%get3A_75, %get3A_76] : memref<1x128xf32, #tpu.memory_space<vmem>>, vector<1x128xf32>
    %sub3A_78 = vector.broadcast %div3A_65 : vector<1x128xf32> to vector<10000x128xf32>
    %sub3A_79 = arith.subf %add3A_59, %sub3A_78 : vector<10000x128xf32>
    %mul3A_80 = vector.broadcast %get3A_77 : vector<1x128xf32> to vector<10000x128xf32>
    %mul3A_81 = arith.mulf %mul3A_80, %sub3A_79 : vector<10000x128xf32>
    %add3A_82 = arith.constant 9.99999974E-6 : f32
    %add3A_83 = vector.broadcast %add3A_82 : f32 to vector<1x128xf32>
    %add3A_84 = arith.addf %div3A_74, %add3A_83 : vector<1x128xf32>
    %sqrt3A_85 = math.sqrt %add3A_84 : vector<1x128xf32>
    %div3A_86 = vector.broadcast %sqrt3A_85 : vector<1x128xf32> to vector<10000x128xf32>
    %div3A_87 = arith.divf %mul3A_81, %div3A_86 : vector<10000x128xf32>
    %get3A_88 = arith.constant 0 : index
    %get3A_89 = arith.constant 0 : index
    %get3A_90 = vector.load %arg9[%get3A_88, %get3A_89] : memref<1x128xf32, #tpu.memory_space<vmem>>, vector<1x128xf32>
    %add3A_91 = vector.broadcast %get3A_90 : vector<1x128xf32> to vector<10000x128xf32>
    %add3A_92 = arith.addf %div3A_87, %add3A_91 : vector<10000x128xf32>
    %max3A_93 = arith.constant 0.000000e+00 : f32
    %max3A_94 = vector.broadcast %max3A_93 : f32 to vector<10000x128xf32>
    %max3A_95 = arith.maximumf %add3A_92, %max3A_94 : vector<10000x128xf32>
    %swap3A = arith.constant 0 : index
    %swap3A_96 = arith.constant 0 : index
    %swap3A_97 = vector.load %arg10[%swap3A, %swap3A_96] : memref<10000x128xf32, #tpu.memory_space<vmem>>, vector<10000x128xf32>
    tpu.vector_store %arg10[%swap3A, %swap3A_96], %max3A_95 {strides = array<i32>} : memref<10000x128xf32, #tpu.memory_space<vmem>>, vector<10000x128xf32>,
    return
  }
}

</mosaic_0001>

<sc_bundles>
// kernel: kernel.5.cloned.1.call-start
scs
__scs_entry_jumppad:
0x0: {  	(pc) =	sbr.rel $0x88, $3  }
0x1: {  	(tag) =	ssettag $0x0;
	lr =	simm.s32 $0x1  }
0x2: {  	[smem:$0x3F95] =	sst lr;
	_ =	strace $0xD0000000  }
0x3: {  	_ = 	snop  }
0x4: {  	_ = 	snop  }
0x5: {  	_ = 	snop  }
0x6: {  	_ = 	snop  }
0x7: {  	_ = 	snop  }
__scs_overlays_trampoline_lowered:
0x8: {  	[smem:$0x3FA4] =	sst s0  }
0x9: {  	[smem:$0x3FA5] =	sst s1  }
0xa: {  	[smem:$0x3FA6] =	sst s2  }
0xb: {  	[smem:$0x3FA7] =	sst s3  }
0xc: {  	[smem:$0x3FA8] =	sst s4  }
0xd: {  	[smem:$0x3FA9] =	sst s5  }
0xe: {  	[smem:$0x3FAA] =	sst s6  }
0xf: {  	[smem:$0x3FAB] =	sst s7  }
0x10: {  	[smem:$0x3FAC] =	sst s8  }
0x11: {  	[smem:$0x3FAD] =	sst s9;
	s0 =	simm.s32 @!p0 $0x0  }
0x12: {  	s1 =	sld [smem:$0x3F93];
	s0 =	simm.s32 @p0 $0x1  }
0x13: {  	[smem:$0x3FAE] =	sst s0;
	s0 =	simm.s32 @!p1 $0x0  }
0x14: {  	s2 =	sld [smem:$0x3F92];
	s0 =	simm.s32 @p1 $0x1  }
0x15: {  	[smem:$0x3FAF] =	sst s0;
	s0 =	simm.s32 @!p2 $0x0  }
0x16: {  	s3 =	sld [smem:$0x3FDB];
	s0 =	simm.s32 @p2 $0x1  }
0x17: {  	s4 =	simm.s32 $0x1BF5;
	[smem:$0x3FB1] =	sst s0  }
0x18: {  	s0 =	sld [smem:$0x3F94];
	_ =	swait.ge [sflag:s4], $0x0  }
0x19: {  	s7 =	sld [smem:$0x3F95]  }
0x1a: {  	s8 =	sadd.s32 $0xFFFFE003, lr  }
0x1b: {  	s9 =	sadd.s32 $0xFFFFFEF7, lr;
	s5 =	simm.s32 $0xFFFFFFFF;
	p2 =	slt.u32 s8, $0xFFFFF086  }
0x1c: {  	p1 =	slt.u32 s9, $0xF7A;
	s5 =	simm.s32 @!p2 $0x0  }
0x1d: {  	s5 =	simm.s32 @p1 $0x1;
	p0 =	seq.s32 s7, s2  }
0x1e: {  	s7 =	smul.u32 @!p0 $0xF7A, s2;
	p2 =	seq.s32 @!p0 s5, $0x0  }
0x1f: {  	s9 =	smul.u32 $0xF7A, s1;
	s8 =	simm.s32 @!p0 $0x1BF5;
	p2 =	por !p2, p0  }
0x20: {  	[sflag:s8] =	ssyncset.s32 @!p0 $0xFFFFF086;
	s6 =	sadd.s32 @!p0 s3, s7;
	s7 =	simm.s32 @!p0 $0x108  }
0x21: {  	s3 =	sadd.s32 s3, s9;
	s6 =	sadd.s32 @!p0 $0x88, s6;
	s7 =	simm.s32 @p2 $0x1082  }
0x22: {  	[simem:s7], [sflag:s8] =	dma.local @!p0 [hbm:s6], $0xF7A  }
0x23: {  	s9 =	sor.u32 $0xD0000000, s2;
	s6 =	simm.s32 $0x108;
	_ =	swait.ge @!p0 [sflag:s8], $0x0  }
0x24: {  	s3 =	sadd.s32 $0x88, s3;
	s6 =	simm.s32 @!p1 $0x1082;
	[sflag:s4] =	ssyncset.s32 $0xFFFFF086  }
0x25: {  	[simem:s6], [sflag:s4] =	dma.local [hbm:s3], $0xF7A  }
0x26: {  	[smem:$0x3F95] =	sst s1;
	(tag) =	ssettag s2;
	_ =	strace s9  }
0x27: {  	s1 =	sld [smem:$0x3FA5]  }
0x28: {  	s2 =	sld [smem:$0x3FA6]  }
0x29: {  	s4 =	sld [smem:$0x3FA8]  }
0x2a: {  	p0 =	seq.s32 s5, $0x0;
	s5 =	sld [smem:$0x3FA9]  }
0x2b: {  	s6 =	sld [smem:$0x3FAA]  }
0x2c: {  	s7 =	sld [smem:$0x3FAB]  }
0x2d: {  	s3 =	simm.s32 $0x108;
	s8 =	sld [smem:$0x3FAC]  }
0x2e: {  	s3 =	simm.s32 @!p0 $0x1082;
	s9 =	sld [smem:$0x3FAD]  }
0x2f: {  	lr =	sadd.s32 s0, s3;
	s0 =	sld [smem:$0x3FA4]  }
0x30: {  	s3 =	sld [smem:$0x3FA7]  }
0x31: {  	[smem:$0x3FB0] =	sst s10  }
0x32: {  	s10 =	sld [smem:$0x3FAE];
	_ =	sdelay $0x3  }
0x33: {  	p0 =	seq.s32 s10, $0x1;
	s10 =	sld [smem:$0x3FB0];
	_ =	sdelay $0x3  }
0x34: {  	[smem:$0x3FB0] =	sst s10  }
0x35: {  	s10 =	sld [smem:$0x3FAF];
	_ =	sdelay $0x3  }
0x36: {  	p1 =	seq.s32 s10, $0x1;
	s10 =	sld [smem:$0x3FB0];
	_ =	sdelay $0x3  }
0x37: {  	[smem:$0x3FB0] =	sst s10  }
0x38: {  	s10 =	sld [smem:$0x3FB1]  }
0x39: {  	_ = 	snop;
	(pc) =	sbr.ind lr, $3  }
0x3a: {  	_ = 	snop  }
0x3b: {  	_ = 	snop  }
0x3c: {  	p2 =	seq.s32 s10, $0x1;
	s10 =	sld [smem:$0x3FB0]  }
0x3d: {  	_ =	shalt  }
0x3e: {  	_ =	shalt  }
0x3f: {  	_ =	shalt  }
0x40: {  	_ =	shalt  }
0x41: {  	_ =	shalt  }
0x42: {  	_ =	shalt  }
0x43: {  	_ =	shalt  }
0x44: {  	_ =	shalt  }
0x45: {  	_ =	shalt  }
0x46: {  	_ =	shalt  }
0x47: {  	_ =	shalt  }
0x48: {  	_ =	shalt  }
0x49: {  	_ =	shalt  }
0x4a: {  	_ =	shalt  }
0x4b: {  	_ =	shalt  }
0x4c: {  	_ =	shalt  }
0x4d: {  	_ =	shalt  }
0x4e: {  	_ =	shalt  }
0x4f: {  	_ =	shalt  }
0x50: {  	_ =	shalt  }
0x51: {  	_ =	shalt  }
0x52: {  	_ =	shalt  }
0x53: {  	_ =	shalt  }
0x54: {  	_ =	shalt  }
0x55: {  	_ =	shalt  }
0x56: {  	_ =	shalt  }
0x57: {  	_ =	shalt  }
0x58: {  	_ =	shalt  }
0x59: {  	_ =	shalt  }
0x5a: {  	_ =	shalt  }
0x5b: {  	_ =	shalt  }
0x5c: {  	_ =	shalt  }
0x5d: {  	_ =	shalt  }
0x5e: {  	_ =	shalt  }
0x5f: {  	_ =	shalt  }
0x60: {  	_ =	shalt  }
0x61: {  	_ =	shalt  }
0x62: {  	_ =	shalt  }
0x63: {  	_ =	shalt  }
0x64: {  	_ =	shalt  }
0x65: {  	_ =	shalt  }
0x66: {  	_ =	shalt  }
0x67: {  	_ =	shalt  }
0x68: {  	_ =	shalt  }
0x69: {  	_ =	shalt  }
0x6a: {  	_ =	shalt  }
0x6b: {  	_ =	shalt  }
0x6c: {  	_ =	shalt  }
0x6d: {  	_ =	shalt  }
0x6e: {  	_ =	shalt  }
0x6f: {  	_ =	shalt  }
0x70: {  	_ =	shalt  }
0x71: {  	_ =	shalt  }
0x72: {  	_ =	shalt  }
0x73: {  	_ =	shalt  }
0x74: {  	_ =	shalt  }
0x75: {  	_ =	shalt  }
0x76: {  	_ =	shalt  }
0x77: {  	_ =	shalt  }
0x78: {  	_ =	shalt  }
0x79: {  	_ =	shalt  }
0x7a: {  	_ =	shalt  }
0x7b: {  	_ =	shalt  }
0x7c: {  	_ =	shalt  }
0x7d: {  	_ =	shalt  }
0x7e: {  	_ =	shalt  }
0x7f: {  	_ =	shalt  }
0x80: {  	_ =	shalt  }
0x81: {  	_ =	shalt  }
0x82: {  	_ =	shalt  }
0x83: {  	_ =	shalt  }
0x84: {  	_ =	shalt  }
0x85: {  	_ =	shalt  }
0x86: {  	_ =	shalt  }
0x87: {  	_ =	shalt  }
.Lfunc_end0:
.L_simem_size_0:
called_computation_lowered:
.L_overlay_start_0:
0x88: {  	s2 =	sld [smem:$0x3FD9]  }
0x89: {  	s3 =	sld [smem:$0x3FFE];
	_ =	sdelay $0x1  }
0x8a: {  	s1 =	srdreg.scid  }
0x8b: {  	s0 =	sand.u32 $0x1, s1  }
0x8c: {  	s17 =	sshll.u32 s0, $0xA;
	s2 =	sadd.s32 s3, s2  }
0x8d: {  	s2 =	sadd.s32 s2, s17  }
0x8e: {  	[smem:$0x3FBC] =	sst s2  }
0x8f: {  	_ = 	snop  }
0x90: {  	s2 =	sld [smem:$0x3FD0];
	(tm) =	ssettm $0x1  }
0x91: {  	s18 =	sld [smem:$0x3FFB];
	_ =	sdelay $0x3  }
0x92: {  	_ =	strace s18  }
0x93: {  	s3 =	sld [smem:$0x3FFC];
	_ =	sdelay $0x3  }
0x94: {  	_ =	strace s3  }
0x95: {  	s3 =	sld [smem:$0x3FFD];
	_ =	sdelay $0x3  }
0x96: {  	_ =	strace s3  }
0x97: {  	_ =	strace $0x8FFFFFFF  }
0x98: {  	s19 =	sld [smem:$0x3FDB];
	_ =	sdelay $0x1  }
0x99: {  	s4 =	simm.s32 $_scs_section_size  }
0x9a: {  	s5 =	simm.s32 $_size__tile_overlayer_lowered;
	s6 =	simm.s32 $_tile_overlayer_lowered  }
0x9b: {  	s22 =	simm.s32 $0x1BFF;
	s21 =	sshll.u32 s6, $0x1;
	s3 =	sadd.s32 s4, s19  }
0x9c: {  	s7 =	simm.s32 $0x0;
	s20 =	sshll.u32 s5, $0x1;
	s5 =	sadd.s32 s21, s3  }
0x9d: {  	[timem:s7], [sflag:s22] =	dma.local [hbm:s5], s20  }
0x9e: {  	_ =	swait.ge [sflag:s22], s20  }
0x9f: {  	s4 =	ssub.s32 $0x0, s20;
	[sflag:s22] =	ssyncset.done $0x0  }
0xa0: {  	[sflag:s22] =	ssyncadd.s32 s4;
	_ =	sdelay $0x1  }
0xa1: {  	s23 =	simm.s32 $0x1B8B  }
0xa2: {  	_ =	swait.ge [sflag:s23], $0x1  }
0xa3: {  	[sflag:s23] =	ssyncset.done $0x0  }
0xa4: {  	s25 =	simm.s32 $0x1B8E;
	s24 =	sld [smem:$0x3FFE];
	[sflag:s23] =	ssyncadd.s32 $0xFFFFFFFF  }
0xa5: {  	s26 =	simm.s32 $execute0_lowered;
	[smem:$0x3FD2] =	sst s25  }
0xa6: {  	s5 =	sshll.u32 s26, $0x1;
	_ =	strace $0x80000046;
	[dreg:$0x1] =	wrdreg $0xFFFFFFFF  }
0xa7: {  	s28 =	simm.s32 $_size_execute0_lowered;
	s3 =	sadd.s32 s3, s5;
	[dreg:$0x0] =	wrdreg $0x0  }
0xa8: {  	s5 =	sshll.u32 s28, $0x1;
	[dreg:$0x2] =	wrdreg s3  }
0xa9: {  	[dreg:$0x3] =	wrdreg s5  }
0xaa: {  	[dreg:$0x4] =	wrdreg $0xC0  }
0xab: {  	_ =	task [dreg:s7], $0x5FFFF  }
0xac: {  	[dreg:$0x1] =	wrdreg $0xFFFFFFFF  }
0xad: {  	[dreg:$0x0] =	wrdreg $0x60  }
0xae: {  	[dreg:$0x2] =	wrdreg s24  }
0xaf: {  	[dreg:$0x3] =	wrdreg s2  }
0xb0: {  	[dreg:$0x4] =	wrdreg $0xB5000  }
0xb1: {  	[dreg:$0x5] =	wrdreg $0x9  }
0xb2: {  	_ =	task.clear_ibuf [dreg:s7], $0x6FFFF;
	_ =	strace $0x90000046  }
0xb3: {  	s29 =	simm.s32 $0x9;
	_ =	strace $0x80000048  }
0xb4: {  	_ =	swait.ge [sflag:s29], $0x1  }
0xb5: {  	[sflag:s29] =	ssyncadd.s32 $0xFFFFFFFF  }
0xb6: {  	_ =	strace $0x90000048  }
0xb7: {  	_ =	sfence  }
0xb8: {  	s30 =	sld [smem:$0x0];
	_ =	sdelay $0x2  }
0xb9: {  	s31 =	sshll.u32 s1, $0xD;
	s1 =	sshrl.u32 s1, $0x2  }
0xba: {  	s3 =	sand.u32 $0x4000, s31;
	s1 =	sadd.s32 s1, s30  }
0xbb: {  	s0 =	sor.u32 s3, s0;
	s1 =	sshll.u32 s1, $0x11  }
0xbc: {  	s0 =	sor.u32 s1, s0  }
0xbd: {  	s0 =	sadd.s32 $0x8F2B, s0  }
0xbe: {  	[sflag:s0] =	ssyncadd.remote.s32 $0x1  }
0xbf: {  	_ =	sfence.sel $0xFFFF  }
0xc0: {  	[dreg:$0x0] =	wrdreg $0xFFFFFFFF;
	(pc) =	sbr.abs _section_cstart, $3  }
0xc1: {  	[dreg:$0x1] =	wrdreg $0xFFFFFFFF  }
0xc2: {  	_ =	task.clear_ibuf [dreg:s7], $0x2FFFF;
	_ =	strace $0x9FFFFFFF  }
0xc3: {  	(tm) =	ssettm $0x7FFFFFFF  }
tec
execute0_lowered:
.L_overlay_start_1:
0x0: {  	(tag) =	ssettag $0x1  }
0x1: {  	s0 =	rddreg [dreg:$0x0]  }
0x2: {  	s2 =	rddreg [dreg:$0x1]  }
0x3: {  	s1 =	rddreg [dreg:$0x2];
	s3 =	simm.s32 $0x0  }
0x4: {  	s4 =	srdreg.scid;
	s12 =	stileid.u32;
	s28 =	simm.s32 $0x1  }
0x5: {  	s29 =	simm.s32 $0x4;
	s30 =	simm.s32 $0x2;
	s31 =	simm.s32 $0x5  }
0x6: {  	[smem:$0x7FF] =	sst s3;
	s6 =	sand.u32 $0x1, s4;
	s10 =	smul.u32 $0xA000, s12  }
0x7: {  	s5 =	sshll.u32 s12, $0x1;
	s4 =	sadd.s32 $0x1A00, s0;
	s18 =	smul.u32 $0x4E20, s12  }
0x8: {  	s11 =	ssub.s32 $0x7C, s12;
	s25 =	smul.u32 $0x500, s12;
	_ =	strace $0x80000047  }
0x9: {  	s7 =	smul.u32 $0x27100, s6;
	s8 =	sor.u32 s6, s5;
	s5 =	sadd.s32 $0x76E00, s0  }
0xa: {  	s9 =	ssub.s32 $0x2, s6;
	s6 =	smul.u32 $0x2710, s6;
	s19 =	sshrl.u32 s11, $0x4  }
0xb: {  	s8 =	smul.u32 $0x2710, s8;
	s17 =	sshrl.u32 s9, $0x1;
	s21 =	sshrl.u32 s10, $0x2  }
0xc: {  	s10 =	sadd.s32 $0x1, s19;
	s19 =	simm.s32 $0x2900;
	s0 =	sadd.s32 s7, s0  }
0xd: {  	s7 =	ssub.s32 s9, s17;
	s6 =	sadd.s32 s6, s18;
	s22 =	sadd.s32 s21, s1  }
0xe: {  	s18 =	simm.s32 $0x50;
	s21 =	simm.s32 $0x5100;
	s8 =	sshrl.u32 s8, $0x3  }
0xf: {  	s7 =	smax.u32 s7, $0x1;
	s23 =	sadd.s32 $0x140, s6;
	s24 =	sadd.s32 $0xA0, s6  }
0x10: {  	[dreg:$0x8] =	wrdreg s22;
	s12 =	sadd.s32 $0x1400, s22;
	s6 =	sadd.s32 $0xF0, s6  }
0x11: {  	s0 =	sadd.s32 s25, s0;
	s22 =	simm.s32 $0x2800;
	s25 =	simm.s32 $0x7900  }
0x12: {  	s13 =	sadd.s32 s5, s8;
	s2 =	sadd.s32 s2, s8;
	[dreg:$0x7] =	wrdreg s7  }
0x13: {  	s26 =	sshrl.u32 s24, $0x3;
	[dreg:$0xa] =	wrdreg s6;
	s16 =	sadd.s32 $0x80C00, s0  }
0x14: {  	s24 =	simm.s32 $0x7;
	s0 =	simm.s32 $0x3;
	[dreg:$0x5] =	wrdreg s2  }
0x15: {  	[dreg:$0x4] =	wrdreg s13;
	s20 =	sadd.s32 $0xA, s13;
	s2 =	sshrl.u32 s23, $0x3  }
0x16: {  	s7 =	simm.s32 $0x0;
	[dreg:$0x6] =	wrdreg s20;
	s2 =	sadd.s32 s2, s5  }
0x17: {  	s23 =	simm.s32 $0xA100;
	[dreg:$0x9] =	wrdreg s2;
	s2 =	sadd.s32 s26, s5  }
0x18: {  	v0 =	vimm.f32 $0.0e+00;
	s20 =	simm.s32 $0x2780;
	s26 =	simm.s32 $0x2880;
	[dreg:$0xb] =	wrdreg s2  }
.LBB2_1:
0x19: {  	s2 =	rddreg [dreg:$0x5];
	s14 =	simm.s32 $0x8  }
0x1a: {  	[tilespmem:s3], [sflag:$0x8] =	stream.linear.gather [hbm4b:s2+s3], $0x2710, $0x38;
	[tilespmem:$0x1F000] =	vst v63  }
0x1b: {  	_ =	swait.ge [sflag:s14], $0x2710  }
0x1c: {  	[sflag:s14] =	ssyncset.done $0x0  }
0x1d: {  	[sflag:s14] =	ssyncadd.s32 $0xFFFFD8F0  }
0x1e: {  	[tilespmem:s19], [sflag:$0x1] =	stream.indirect.gather [hbm4b:s4+s18], $0x80, s3, s18, $0xb8;
	[tilespmem:$0x1F000] =	vst v63  }
0x1f: {  	s15 =	rddreg [dreg:$0x4]  }
0x20: {  	[tilespmem:s20], [sflag:$0x1] =	stream.linear.gather [hbm4b:s15+s3], $0x50, $0x38;
	[tilespmem:$0x1F000] =	vst v63  }
0x21: {  	_ = 	snop  }
0x22: {  	[tilespmem:s21], [sflag:$0x2] =	stream.indirect.gather [hbm4b:s4+s18], $0x80, s18, s18, $0xb8;
	[tilespmem:$0x1F000] =	vst v63  }
0x23: {  	s6 =	simm.s32 $0x200;
	s2 =	simm.s32 $0x0;
	s17 =	rddreg [dreg:$0x6]  }
0x24: {  	[tilespmem:s22], [sflag:$0x2] =	stream.linear.gather [hbm4b:s17+s3], $0x50, $0x38;
	[tilespmem:$0x1F000] =	vst v63  }
.LBB2_2:
0x25: {  	p0 =	sne.s32 s6, $0x4E00;
	[tilespmem:s2+$0xA170] =	vst v0  }
0x26: {  	[tilespmem:s2+$0xA100] =	vst v0  }
0x27: {  	[tilespmem:s2+$0xA110] =	vst v0  }
.Ltmp0:
0x28: {  	[tilespmem:s2+$0xA120] =	vst v0;
	(pc) =	sbr.rel @p0 .LBB2_2-.Ltmp0, $4  }
0x29: {  	[tilespmem:s2+$0xA130] =	vst v0  }
0x2a: {  	[tilespmem:s2+$0xA140] =	vst v0  }
0x2b: {  	[tilespmem:s2+$0xA150] =	vst v0  }
0x2c: {  	[tilespmem:s2+$0xA160] =	vst v0;
	s2 =	sshra.s32 s6, $0x2;
	s6 =	sadd.s32 $0x200, s6  }
0x2d: {  	[tilespmem:s2+$0xA170] =	vst v0  }
0x2e: {  	[tilespmem:s2+$0xA100] =	vst v0  }
0x2f: {  	[tilespmem:s2+$0xA110] =	vst v0  }
0x30: {  	[tilespmem:s2+$0xA120] =	vst v0;
	p0 =	sne.s32 s10, $0x1  }
.Ltmp1:
0x31: {  	[tilespmem:s2+$0xA130] =	vst v0;
	(pc) =	sbr.rel @!p0 .LBB2_5-.Ltmp1, $4  }
0x32: {  	[tilespmem:s2+$0xA140] =	vst v0  }
0x33: {  	[tilespmem:s2+$0xA150] =	vst v0;
	s17 =	sadd.s32 $0xFFFFEC00, s12  }
0x34: {  	[tilespmem:s2+$0xA160] =	vst v0;
	s2 =	sadd.s32 $0xFFFFFFFF, s10;
	s6 =	sadd.s32 $0x28000, s12;
	s8 =	smov.u32 s12  }
0x35: {  	[spmem:s17] =	stream.linear.scatter [tilespmem:s23], [sflag:$0x7], $0x1400, $0x38;
	[tilespmem:$0x1F000] =	vst v63  }
.LBB2_4:
0x36: {  	[spmem:s8] =	stream.linear.scatter [tilespmem:s23], [sflag:$0x7], $0x1400, $0x38;
	[tilespmem:$0x1F000] =	vst v63  }
0x37: {  	p1 =	sne.s32 s2, $0x1  }
.Ltmp2:
0x38: {  	s2 =	sadd.s32 $0xFFFFFFFF, s2;
	(pc) =	sbr.rel @p1 .LBB2_4-.Ltmp2, $4  }
0x39: {  	s8 =	smov.u32 s6  }
0x3a: {  	s9 =	sadd.s32 $0xFFFFEC00, s6  }
0x3b: {  	[spmem:s9] =	stream.linear.scatter [tilespmem:s23], [sflag:$0x7], $0x1400, $0x38;
	[tilespmem:$0x1F000] =	vst v63  }
0x3c: {  	s6 =	sadd.s32 $0x28000, s6  }
.LBB2_5:
0x3d: {  	[spmem:s8] =	stream.linear.scatter [tilespmem:s23], [sflag:$0x7], $0x1400, $0x38;
	[tilespmem:$0x1F000] =	vst v63  }
.Ltmp3:
0x3e: {  	_ =	swait.ge [sflag:s24], $0x1400;
	(pc) =	sbr.rel @!p0 .LBB2_7-.Ltmp3, $4  }
0x3f: {  	[sflag:s24] =	ssyncset.done $0x0  }
0x40: {  	[sflag:s24] =	ssyncadd.s32 $0xFFFFEC00  }
0x41: {  	_ =	swait.ge [sflag:s24], $0x1400  }
0x42: {  	s2 =	sadd.s32 $0xFFFFFFFF, s10;
	[sflag:s24] =	ssyncset.done $0x0  }
.LBB2_6:
0x43: {  	p1 =	sne.s32 s2, $0x1;
	s2 =	sadd.s32 $0xFFFFFFFF, s2;
	[sflag:s24] =	ssyncadd.s32 $0xFFFFEC00  }
.Ltmp4:
0x44: {  	_ =	swait.ge [sflag:s24], $0x1400;
	(pc) =	sbr.rel @p1 .LBB2_6-.Ltmp4, $4  }
0x45: {  	[sflag:s24] =	ssyncset.done $0x0  }
0x46: {  	[sflag:s24] =	ssyncadd.s32 $0xFFFFEC00  }
0x47: {  	_ =	swait.ge [sflag:s24], $0x1400  }
0x48: {  	[sflag:s24] =	ssyncset.done $0x0  }
.LBB2_7:
0x49: {  	[sflag:s24] =	ssyncadd.s32 $0xFFFFEC00;
	p1 =	por $0x1, $0x1  }
0x4a: {  	[bflag:$0x0] =	sbarrier.arrive $0xFFFF;
	s2 =	simm.s32 @!p1 $0x6  }
0x4b: {  	_ =	swait.ge @!p1 [sflag:s2], $0x2800  }
0x4c: {  	[sflag:s2] =	ssyncset.done @!p1 $0x0  }
0x4d: {  	s13 =	simm.s32 $0xA0;
	[sflag:s2] =	ssyncadd.s32 @!p1 $0xFFFFD800  }
0x4e: {  	[tilespmem:s25], [sflag:$0x3] =	stream.indirect.gather [hbm4b:s4+s18], $0x80, s13, s18, $0xb8;
	[tilespmem:$0x1F000] =	vst v63  }
0x4f: {  	s11 =	rddreg [dreg:$0xb]  }
0x50: {  	[tilespmem:s26], [sflag:$0x3] =	stream.linear.gather [hbm4b:s11+s3], $0x50, $0x38;
	[tilespmem:$0x1F000] =	vst v63  }
0x51: {  	_ =	swait.ge [sflag:s28], $0x2800  }
0x52: {  	[sflag:s28] =	ssyncset.done $0x0  }
0x53: {  	[sflag:s28] =	ssyncadd.s32 $0xFFFFD800  }
0x54: {  	_ =	swait.ge [sflag:s28], $0x50  }
0x55: {  	[sflag:s28] =	ssyncset.done $0x0  }
0x56: {  	[sflag:s28] =	ssyncadd.s32 $0xFFFFFFB0  }
0x57: {  	[spmem:s1] =	stream.indirect.scatter.add.f32 [tilespmem:s19], [sflag:$0x4], $0x80, s20, s18, $0xb8;
	[tilespmem:$0x1F000] =	vst v63  }
0x58: {  	_ =	swait.ge [sflag:s29], $0x2800  }
0x59: {  	[sflag:s29] =	ssyncset.done $0x0;
	s9 =	rddreg [dreg:$0xa]  }
0x5a: {  	s14 =	simm.s32 $0xF0;
	[sflag:s29] =	ssyncadd.s32 $0xFFFFD800;
	s6 =	sshrl.u32 s9, $0x3  }
0x5b: {  	[tilespmem:s19], [sflag:$0x1] =	stream.indirect.gather [hbm4b:s4+s18], $0x80, s14, s18, $0xb8;
	[tilespmem:$0x1F000] =	vst v63  }
0x5c: {  	s15 =	sadd.s32 s5, s6  }
0x5d: {  	[tilespmem:s20], [sflag:$0x1] =	stream.linear.gather [hbm4b:s15+s3], $0x50, $0x38;
	[tilespmem:$0x1F000] =	vst v63  }
0x5e: {  	_ =	swait.ge [sflag:s30], $0x2800  }
0x5f: {  	[sflag:s30] =	ssyncset.done $0x0  }
0x60: {  	[sflag:s30] =	ssyncadd.s32 $0xFFFFD800  }
0x61: {  	_ =	swait.ge [sflag:s30], $0x50  }
0x62: {  	[sflag:s30] =	ssyncset.done $0x0  }
0x63: {  	[sflag:s30] =	ssyncadd.s32 $0xFFFFFFB0  }
0x64: {  	[spmem:s1] =	stream.indirect.scatter.add.f32 [tilespmem:s21], [sflag:$0x5], $0x80, s22, s18, $0xb8;
	[tilespmem:$0x1F000] =	vst v63  }
0x65: {  	_ =	swait.ge [sflag:s31], $0x2800  }
0x66: {  	[sflag:s31] =	ssyncset.done $0x0  }
0x67: {  	s17 =	simm.s32 $0x140;
	[sflag:s31] =	ssyncadd.s32 $0xFFFFD800  }
0x68: {  	[tilespmem:s21], [sflag:$0x2] =	stream.indirect.gather [hbm4b:s4+s18], $0x80, s17, s18, $0xb8;
	[tilespmem:$0x1F000] =	vst v63  }
0x69: {  	s8 =	rddreg [dreg:$0x9]  }
0x6a: {  	[tilespmem:s22], [sflag:$0x2] =	stream.linear.gather [hbm4b:s8+s3], $0x50, $0x38;
	[tilespmem:$0x1F000] =	vst v63  }
0x6b: {  	_ =	swait.ge [sflag:s0], $0x2800  }
0x6c: {  	p2 =	por $0x0, $0x0;
	[sflag:s0] =	ssyncset.done $0x0  }
0x6d: {  	s2 =	simm.s32 $0x780;
	s13 =	simm.s32 $0x2;
	[sflag:s0] =	ssyncadd.s32 $0xFFFFD800  }
0x6e: {  	s9 =	sadd.s32 $0xF0, s9;
	s6 =	sadd.s32 $0x1E, s11;
	_ =	swait.ge [sflag:s0], $0x50  }
0x6f: {  	s17 =	simm.s32 $0x3C0;
	s8 =	sadd.s32 $0x1E, s8;
	[sflag:s0] =	ssyncset.done $0x0  }
.LBB2_8:
0x70: {  	s11 =	simm.s32 @!p2 $0x6  }
0x71: {  	[sflag:s0] =	ssyncadd.s32 $0xFFFFFFB0;
	s14 =	smov.u32 s2;
	s2 =	sadd.s32 $0x3C0, s2  }
0x72: {  	[spmem:s1] =	stream.indirect.scatter.add.f32 [tilespmem:s25], [sflag:$0x6], $0x80, s26, s18, $0xb8;
	[tilespmem:$0x1F000] =	vst v63  }
0x73: {  	p1 =	sne.s32 s2, $0x99C0;
	_ =	swait.ge @!p2 [sflag:s11], $0x2800  }
0x74: {  	s15 =	sshra.s32 s17, $0x2;
	s17 =	smov.u32 s14;
	[sflag:s11] =	ssyncset.done @!p2 $0x0  }
0x75: {  	[sflag:s11] =	ssyncadd.s32 @!p2 $0xFFFFD800;
	s11 =	sadd.s32 $0xA0, s15  }
0x76: {  	[tilespmem:s25], [sflag:$0x3] =	stream.indirect.gather [hbm4b:s4+s18], $0x80, s11, s18, $0xb8;
	[tilespmem:$0x1F000] =	vst v63  }
0x77: {  	_ = 	snop  }
0x78: {  	[tilespmem:s26], [sflag:$0x3] =	stream.linear.gather [hbm4b:s6+s3], $0x50, $0x38;
	[tilespmem:$0x1F000] =	vst v63  }
0x79: {  	_ =	swait.ge [sflag:s28], $0x2800  }
0x7a: {  	[sflag:s28] =	ssyncset.done $0x0  }
0x7b: {  	[sflag:s28] =	ssyncadd.s32 $0xFFFFD800  }
0x7c: {  	_ =	swait.ge [sflag:s28], $0x50  }
0x7d: {  	[sflag:s28] =	ssyncset.done $0x0  }
0x7e: {  	[sflag:s28] =	ssyncadd.s32 $0xFFFFFFB0  }
0x7f: {  	[spmem:s1] =	stream.indirect.scatter.add.f32 [tilespmem:s19], [sflag:$0x4], $0x80, s20, s18, $0xb8;
	[tilespmem:$0x1F000] =	vst v63  }
0x80: {  	_ =	swait.ge [sflag:s29], $0x2800  }
0x81: {  	[sflag:s29] =	ssyncset.done $0x0  }
0x82: {  	s14 =	sshrl.u32 s9, $0x3;
	s11 =	sadd.s32 $0xF0, s15;
	[sflag:s29] =	ssyncadd.s32 $0xFFFFD800  }
0x83: {  	[tilespmem:s19], [sflag:$0x1] =	stream.indirect.gather [hbm4b:s4+s18], $0x80, s11, s18, $0xb8;
	[tilespmem:$0x1F000] =	vst v63  }
0x84: {  	s11 =	sadd.s32 s5, s14  }
0x85: {  	[tilespmem:s20], [sflag:$0x1] =	stream.linear.gather [hbm4b:s11+s3], $0x50, $0x38;
	[tilespmem:$0x1F000] =	vst v63  }
0x86: {  	_ =	swait.ge [sflag:s30], $0x2800  }
0x87: {  	[sflag:s30] =	ssyncset.done $0x0  }
0x88: {  	[sflag:s30] =	ssyncadd.s32 $0xFFFFD800  }
0x89: {  	_ =	swait.ge [sflag:s30], $0x50  }
0x8a: {  	[sflag:s30] =	ssyncset.done $0x0  }
0x8b: {  	[sflag:s30] =	ssyncadd.s32 $0xFFFFFFB0  }
0x8c: {  	[spmem:s1] =	stream.indirect.scatter.add.f32 [tilespmem:s21], [sflag:$0x5], $0x80, s22, s18, $0xb8;
	[tilespmem:$0x1F000] =	vst v63  }
0x8d: {  	_ =	swait.ge [sflag:s31], $0x2800  }
0x8e: {  	[sflag:s31] =	ssyncset.done $0x0  }
0x8f: {  	s11 =	sadd.s32 $0x140, s15;
	[sflag:s31] =	ssyncadd.s32 $0xFFFFD800  }
0x90: {  	[tilespmem:s21], [sflag:$0x2] =	stream.indirect.gather [hbm4b:s4+s18], $0x80, s11, s18, $0xb8;
	[tilespmem:$0x1F000] =	vst v63  }
0x91: {  	_ = 	snop  }
0x92: {  	[tilespmem:s22], [sflag:$0x2] =	stream.linear.gather [hbm4b:s8+s3], $0x50, $0x38;
	[tilespmem:$0x1F000] =	vst v63  }
.Ltmp5:
0x93: {  	_ =	swait.ge [sflag:s0], $0x2800;
	(pc) =	sbr.rel @p1 .LBB2_8-.Ltmp5, $4  }
0x94: {  	[sflag:s0] =	ssyncset.done $0x0  }
0x95: {  	s6 =	sadd.s32 $0x1E, s6;
	[sflag:s0] =	ssyncadd.s32 $0xFFFFD800  }
0x96: {  	s13 =	sadd.s32 $0x3, s13;
	s9 =	sadd.s32 $0xF0, s9;
	_ =	swait.ge [sflag:s0], $0x50  }
0x97: {  	p2 =	sgt.u32 s13, $0x79;
	s8 =	sadd.s32 $0x1E, s8;
	[sflag:s0] =	ssyncset.done $0x0  }
0x98: {  	s2 =	simm.s32 @!p2 $0x6;
	[sflag:s0] =	ssyncadd.s32 $0xFFFFFFB0  }
0x99: {  	[spmem:s1] =	stream.indirect.scatter.add.f32 [tilespmem:s25], [sflag:$0x6], $0x80, s26, s18, $0xb8;
	[tilespmem:$0x1F000] =	vst v63  }
0x9a: {  	_ =	swait.ge @!p2 [sflag:s2], $0x2800  }
0x9b: {  	s11 =	sshra.s32 s17, $0x2;
	[sflag:s2] =	ssyncset.done @!p2 $0x0  }
0x9c: {  	s14 =	sadd.s32 $0xA0, s11;
	[sflag:s2] =	ssyncadd.s32 @!p2 $0xFFFFD800  }
0x9d: {  	[tilespmem:s25], [sflag:$0x3] =	stream.indirect.gather [hbm4b:s4+s18], $0x80, s14, s18, $0xb8;
	[tilespmem:$0x1F000] =	vst v63  }
0x9e: {  	_ = 	snop  }
0x9f: {  	[tilespmem:s26], [sflag:$0x3] =	stream.linear.gather [hbm4b:s6+s3], $0x50, $0x38;
	[tilespmem:$0x1F000] =	vst v63  }
0xa0: {  	_ =	swait.ge [sflag:s28], $0x2800  }
0xa1: {  	[sflag:s28] =	ssyncset.done $0x0  }
0xa2: {  	[sflag:s28] =	ssyncadd.s32 $0xFFFFD800  }
0xa3: {  	_ =	swait.ge [sflag:s28], $0x50  }
0xa4: {  	[sflag:s28] =	ssyncset.done $0x0  }
0xa5: {  	[sflag:s28] =	ssyncadd.s32 $0xFFFFFFB0  }
0xa6: {  	[spmem:s1] =	stream.indirect.scatter.add.f32 [tilespmem:s19], [sflag:$0x4], $0x80, s20, s18, $0xb8;
	[tilespmem:$0x1F000] =	vst v63  }
0xa7: {  	_ =	swait.ge [sflag:s29], $0x2800  }
0xa8: {  	[sflag:s29] =	ssyncset.done $0x0  }
0xa9: {  	s17 =	sshrl.u32 s9, $0x3;
	s15 =	sadd.s32 $0xF0, s11;
	[sflag:s29] =	ssyncadd.s32 $0xFFFFD800  }
0xaa: {  	[tilespmem:s19], [sflag:$0x1] =	stream.indirect.gather [hbm4b:s4+s18], $0x80, s15, s18, $0xb8;
	[tilespmem:$0x1F000] =	vst v63  }
0xab: {  	s9 =	sadd.s32 s5, s17  }
0xac: {  	[tilespmem:s20], [sflag:$0x1] =	stream.linear.gather [hbm4b:s9+s3], $0x50, $0x38;
	[tilespmem:$0x1F000] =	vst v63  }
0xad: {  	_ =	swait.ge [sflag:s30], $0x2800  }
0xae: {  	[sflag:s30] =	ssyncset.done $0x0  }
0xaf: {  	[sflag:s30] =	ssyncadd.s32 $0xFFFFD800  }
0xb0: {  	_ =	swait.ge [sflag:s30], $0x50  }
0xb1: {  	[sflag:s30] =	ssyncset.done $0x0  }
0xb2: {  	[sflag:s30] =	ssyncadd.s32 $0xFFFFFFB0  }
0xb3: {  	[spmem:s1] =	stream.indirect.scatter.add.f32 [tilespmem:s21], [sflag:$0x5], $0x80, s22, s18, $0xb8;
	[tilespmem:$0x1F000] =	vst v63  }
0xb4: {  	_ =	swait.ge [sflag:s31], $0x2800  }
0xb5: {  	[sflag:s31] =	ssyncset.done $0x0  }
0xb6: {  	s11 =	sadd.s32 $0x140, s11;
	[sflag:s31] =	ssyncadd.s32 $0xFFFFD800  }
0xb7: {  	[tilespmem:s21], [sflag:$0x2] =	stream.indirect.gather [hbm4b:s4+s18], $0x80, s11, s18, $0xb8;
	[tilespmem:$0x1F000] =	vst v63  }
0xb8: {  	_ = 	snop  }
0xb9: {  	[tilespmem:s22], [sflag:$0x2] =	stream.linear.gather [hbm4b:s8+s3], $0x50, $0x38;
	[tilespmem:$0x1F000] =	vst v63  }
0xba: {  	_ =	swait.ge [sflag:s0], $0x2800  }
0xbb: {  	[sflag:s0] =	ssyncset.done $0x0  }
0xbc: {  	[sflag:s0] =	ssyncadd.s32 $0xFFFFD800  }
0xbd: {  	_ =	swait.ge [sflag:s0], $0x50  }
0xbe: {  	[sflag:s0] =	ssyncset.done $0x0  }
0xbf: {  	[sflag:s0] =	ssyncadd.s32 $0xFFFFFFB0  }
0xc0: {  	[spmem:s1] =	stream.indirect.scatter.add.f32 [tilespmem:s25], [sflag:$0x6], $0x80, s26, s18, $0xb8;
	[tilespmem:$0x1F000] =	vst v63  }
0xc1: {  	_ =	swait.ge [sflag:s28], $0x2800  }
0xc2: {  	[sflag:s28] =	ssyncset.done $0x0  }
0xc3: {  	[sflag:s28] =	ssyncadd.s32 $0xFFFFD800  }
0xc4: {  	_ =	swait.ge [sflag:s28], $0x50  }
0xc5: {  	[sflag:s28] =	ssyncset.done $0x0  }
0xc6: {  	[sflag:s28] =	ssyncadd.s32 $0xFFFFFFB0  }
0xc7: {  	[spmem:s1] =	stream.indirect.scatter.add.f32 [tilespmem:s19], [sflag:$0x4], $0x80, s20, s18, $0xb8;
	[tilespmem:$0x1F000] =	vst v63  }
0xc8: {  	_ =	swait.ge [sflag:s30], $0x2800  }
0xc9: {  	[sflag:s30] =	ssyncset.done $0x0  }
0xca: {  	[sflag:s30] =	ssyncadd.s32 $0xFFFFD800  }
0xcb: {  	_ =	swait.ge [sflag:s30], $0x50  }
0xcc: {  	[sflag:s30] =	ssyncset.done $0x0  }
0xcd: {  	s13 =	simm.s32 $0x6;
	[sflag:s30] =	ssyncadd.s32 $0xFFFFFFB0  }
0xce: {  	[spmem:s1] =	stream.indirect.scatter.add.f32 [tilespmem:s21], [sflag:$0x5], $0x80, s22, s18, $0xb8;
	[tilespmem:$0x1F000] =	vst v63  }
0xcf: {  	_ =	swait.ge [sflag:s13], $0x2800  }
0xd0: {  	[sflag:s13] =	ssyncset.done $0x0  }
0xd1: {  	[sflag:s13] =	ssyncadd.s32 $0xFFFFD800  }
0xd2: {  	_ =	swait.ge [sflag:s29], $0x2800  }
0xd3: {  	[sflag:s29] =	ssyncset.done $0x0  }
0xd4: {  	[sflag:s29] =	ssyncadd.s32 $0xFFFFD800  }
0xd5: {  	_ =	swait.ge [sflag:s31], $0x2800  }
0xd6: {  	[sflag:s31] =	ssyncset.done $0x0  }
.Ltmp6:
0xd7: {  	s14 =	stileid.u32;
	[sflag:s31] =	ssyncadd.s32 $0xFFFFD800;
	(pc) =	sbr.rel @!p0 .LBB2_11-.Ltmp6, $4  }
0xd8: {  	s2 =	sshll.u32 s14, $0x6;
	[bflag:$0x0] =	sbarrier.arrive $0xFFFF  }
0xd9: {  	s2 =	sor.u32 $0x1C07, s2;
	s6 =	sadd.s32 $0xFFFFFFFF, s10;
	s15 =	rddreg [dreg:$0x8]  }
0xda: {  	s9 =	smov.u32 s16;
	s17 =	sshrl.u32 s15, $0x3;
	s8 =	sadd.s32 $0x28000, s15  }
0xdb: {  	[hbm:s16], [sflag:s2] =	dma.local [spmem:s17], $0x500  }
.LBB2_10:
0xdc: {  	p1 =	sne.s32 s6, $0x1;
	s6 =	sadd.s32 $0xFFFFFFFF, s6  }
.Ltmp7:
0xdd: {  	s11 =	sshrl.u32 s8, $0x3;
	s9 =	sadd.s32 $0x5000, s9;
	(pc) =	sbr.rel @p1 .LBB2_10-.Ltmp7, $3  }
0xde: {  	[hbm:s9], [sflag:s2] =	dma.local [spmem:s11], $0x500  }
0xdf: {  	_ =	sdelay $0x1  }
0xe0: {  	s8 =	sadd.s32 $0x28000, s8  }
.LBB2_11:
.Ltmp8:
0xe1: {  	(pc) =	sbr.rel @!p0 .LBB2_13-.Ltmp8, $3  }
0xe2: {  	_ =	sdelay $0x1  }
0xe3: {  	_ =	swait.ge [sflag:s24], $0x500  }
0xe4: {  	s2 =	sadd.s32 $0xFFFFFFFF, s10;
	[sflag:s24] =	ssyncset.done $0x0  }
.LBB2_12:
0xe5: {  	p0 =	sne.s32 s2, $0x1;
	s2 =	sadd.s32 $0xFFFFFFFF, s2;
	[sflag:s24] =	ssyncadd.s32 $0xFFFFFB00  }
.Ltmp9:
0xe6: {  	(pc) =	sbr.rel @p0 .LBB2_12-.Ltmp9, $3  }
0xe7: {  	_ =	sdelay $0x1  }
0xe8: {  	_ =	swait.ge [sflag:s24], $0x500  }
0xe9: {  	[sflag:s24] =	ssyncset.done $0x0  }
.LBB2_13:
0xea: {  	s7 =	sadd.s32 $0x1, s7;
	s2 =	rddreg [dreg:$0x7]  }
0xeb: {  	p0 =	sne.s32 s7, s2  }
.Ltmp10:
0xec: {  	_ = 	snop;
	(pc) =	sbr.rel @p0 .LBB2_1-.Ltmp10, $2  }
0xed: {  	_ =	sdelay $0x2  }
0xee: {  	[sflag:s24] =	ssyncadd.s32 $0xFFFFFB00  }
0xef: {  	_ =	sfence.sel $0x180000  }
0xf0: {  	[bflag:$0x0] =	sbarrier.arrive $0xFFFF  }
0xf1: {  	_ =	strace $0x90000047  }
0xf2: {  	s0 =	stileid.u32;
	[bflag:$0x2] =	sbarrier.arrive $0xFFFF  }
0xf3: {  	p0 =	sne.s32 s0, $0x0;
	s0 =	rddreg [dreg:$0x3]  }
0xf4: {  	s0 =	sadd.s32 @!p0 $0x100000, s0  }
0xf5: {  	[sflag:s0] =	ssyncadd.tile.s32 @!p0 $0x1;
	_ =	shalt  }
.Lfunc_end2:
_tile_overlayer_lowered:
.L_overlay_start_2:
0xf6: {  	(tag) =	ssettag $0x2  }
0xf7: {  	s0 =	rddreg [dreg:$0x0];
	s2 =	stileid.u32  }
0xf8: {  	s1 =	rddreg [dreg:$0x1];
	p0 =	sne.s32 s2, $0x0  }
0xf9: {  	s3 =	rddreg [dreg:$0x2];
	[bflag:$0x3] =	sbarrier.arrive $0xFFFF;
	s2 =	simm.s32 @!p0 $0x1C08  }
0xfa: {  	[timem:s3], [sflag:s2] =	dma.local @!p0 [hbm:s0], s1  }
0xfb: {  	s0 =	simm.s32 @!p0 $0x8  }
0xfc: {  	_ =	swait.ge @!p0 [sflag:s0], s1  }
0xfd: {  	s1 =	ssub.s32 @!p0 $0x0, s1;
	[sflag:s0] =	ssyncset.done @!p0 $0x0  }
0xfe: {  	[sflag:s0] =	ssyncadd.s32 @!p0 s1  }
0xff: {  	[bflag:$0x3] =	sbarrier.arrive $0xFFFF  }
0x100: {  	_ =	shalt  }

</sc_bundles>
